<compile_context>
chip_gen: v7x
topology: tpu7x:2x2x1
jax: 0.10.2.dev20260603
libtpu: 0.0.44.dev20260713+nightly
codegen_flags: <defaults>
</compile_context>

<pallas_src>
import functools

import jax
import jax.numpy as jnp
from jax import lax
from jax.experimental import pallas as pl
from jax.experimental.pallas import tpu as pltpu
from jax.experimental.pallas import tpu_sc as plsc

_A = 4096
_NC, _NS = 2, 16
_NW = _NC * _NS
_ROWS_PER_W = _A // _NW
_G = 2
_NGRP = _ROWS_PER_W // _G
_BUF = _G * _A + 8
_CBUF = _BUF + 8 + 16
_NEG = float("-inf")


@functools.lru_cache(maxsize=None)
def _build_sc_call(n_entries: int):
    n = n_entries
    n8 = (n // 8) * 8
    mesh = plsc.VectorSubcoreMesh(
        core_axis_name="c", subcore_axis_name="s",
        num_cores=_NC, num_subcores=_NS)

    def body(row_hbm, col_hbm, val_hbm, trow_hbm, tcol_hbm, tval_hbm, out_hbm,
             lrow0, col0, val0, lrow1, col1, val1, dense0, dense1, probe_v,
             sem_probe, sem_row0, sem_row1, sem_cv0, sem_cv1,
             sem_out0, sem_out1):
        wid = lax.axis_index("s") * _NC + lax.axis_index("c")
        row0 = wid * _ROWS_PER_W
        iota = lax.broadcasted_iota(jnp.int32, (16,), 0)
        sets = ((lrow0, col0, val0, sem_row0, sem_cv0),
                (lrow1, col1, val1, sem_row1, sem_cv1))
        denses = ((dense0, sem_out0), (dense1, sem_out1))

        for lr, cl, vl, _, _ in sets:
            pltpu.sync_copy(trow_hbm, lr.at[pl.ds(_BUF, 8)])
            pltpu.sync_copy(tcol_hbm, cl.at[pl.ds(_BUF, 8)])
            pltpu.sync_copy(tval_hbm, vl.at[pl.ds(_BUF, 8)])

        qv = jnp.full((16,), row0, jnp.int32)
        lo = jnp.zeros((16,), jnp.int32)
        length = jnp.full((16,), n + 1, jnp.int32)

        def probe_round(_, carry):
            lo_, len_ = carry
            s = (len_ + 15) // 16
            p = lo_ + iota * s
            pc = jnp.minimum(p, n - 1)
            pltpu.async_copy(row_hbm.at[pc], probe_v, sem_probe).wait()
            v = probe_v[...]
            pred = (p < lo_ + len_) & (p < n) & (v < qv)
            c = plsc.all_reduce_population_count(pred)
            cpos = (c - 1) * s + 1
            lo2 = lo_ + jnp.where(c > 0, cpos, 0)
            len2 = jnp.where(c > 0,
                             jnp.maximum(jnp.minimum(s, len_ - cpos), 1),
                             1)
            return (lo2, len2)

        lo, length = lax.fori_loop(0, 7, probe_round, (lo, length))
        pos0 = jnp.max(lo)

        def at(ref, i):
            g = plsc.load_gather(ref, [jnp.full((16,), i, jnp.int32)])
            return jnp.max(g)

        def first_ge(ref, lo_s, hi_s, q):
            def step(_, lh):
                l, h = lh
                mid = (l + h) >> 1
                v = at(ref, mid)
                big = v >= q
                l2 = jnp.where(l < h, jnp.where(big, l, mid + 1), l)
                h2 = jnp.where(l < h, jnp.where(big, mid, h), h)
                return (l2, h2)
            l, _ = lax.fori_loop(0, 14, step, (lo_s, hi_s))
            return l

        def win_start(pos):
            return pl.multiple_of(jnp.minimum((pos >> 3) << 3, n8 - _BUF), 8)

        def issue_in(pos, st):
            lr, cl, vl, s_row, s_cv = st
            start = win_start(pos)
            pltpu.async_copy(row_hbm.at[pl.ds(start, _BUF)],
                             lr.at[pl.ds(0, _BUF)], s_row)
            pltpu.async_copy(col_hbm.at[pl.ds(start, _BUF)],
                             cl.at[pl.ds(0, _BUF)], s_cv)
            pltpu.async_copy(val_hbm.at[pl.ds(start, _BUF)],
                             vl.at[pl.ds(0, _BUF)], s_cv)

        neg = jnp.full((16,), _NEG, jnp.float32)
        ones = jnp.full((16,), 1.0, jnp.float32)
        lane0 = iota == 0

        issue_in(pos0, sets[0])

        def half(it, g_half, pos):
            st = sets[g_half]
            lr, cl, vl, s_row, s_cv = st
            dn, s_out = denses[g_half]
            g = it * 2 + g_half
            g0 = row0 + g * _G
            start = win_start(pos)
            base = pos - start
            pltpu.make_async_copy(row_hbm.at[pl.ds(start, _BUF)],
                                  lr.at[pl.ds(0, _BUF)], s_row).wait()
            end = first_ge(lr, base, jnp.minimum(_BUF + 8, n - start),
                           g0 + _G)
            pos_next = start + end
            issue_in(pos_next, sets[1 - g_half])

            @pl.when(it >= 1)
            def _():
                pltpu.make_async_copy(
                    dn, out_hbm.at[pl.ds(g0 * _A, _G * _A)], s_out).wait()

            @plsc.parallel_loop(0, _G * _A // 128, unroll=2)
            def _(k):
                b = k * 128
                for j in range(8):
                    dn[pl.ds(b + j * 16, 16)] = neg

            pltpu.make_async_copy(col_hbm.at[pl.ds(start, _BUF)],
                                  cl.at[pl.ds(0, _BUF)], s_cv).wait()
            pltpu.make_async_copy(val_hbm.at[pl.ds(start, _BUF)],
                                  vl.at[pl.ds(0, _BUF)], s_cv).wait()

            a0 = (base >> 4) << 4
            h = ((base + 15) >> 4) << 4
            t_end = (end >> 4) << 4
            ntm = jnp.maximum(t_end - h, 0) >> 4
            goff = g0 * _A
            goffv = jnp.full((16,), goff, jnp.int32)

            def scat_at(off, mask):
                lrv = lr[pl.ds(off, 16)]
                cols = cl[pl.ds(off, 16)]
                vals = vl[pl.ds(off, 16)]
                dst = (lrv << 12) + cols - goffv
                plsc.store_scatter(dn, [dst], vals, mask=mask)

            p_h = a0 + iota
            scat_at(a0, (p_h >= base) & (p_h < jnp.minimum(h, end)))

            @plsc.parallel_loop(0, ntm, unroll=8)
            def _(t):
                scat_at(h + t * 16, None)

            p_t = t_end + iota
            scat_at(t_end, (p_t >= jnp.maximum(t_end, base)) & (p_t < end))

            for rr in range(_G):
                didx = jnp.full((16,), rr * (_A + 1), jnp.int32) + g0
                plsc.store_scatter(dn, [didx], ones, mask=lane0)

            pltpu.async_copy(dn, out_hbm.at[pl.ds(goff, _G * _A)], s_out)
            return pos_next

        def pair_body(it, pos):
            pos = half(it, 0, pos)
            pos = half(it, 1, pos)
            return pos

        pos_end = lax.fori_loop(0, _NGRP // 2, pair_body, pos0)

        pltpu.make_async_copy(
            dense0, out_hbm.at[pl.ds((row0 + (_ROWS_PER_W - 2 * _G)) * _A,
                                     _G * _A)], sem_out0).wait()
        pltpu.make_async_copy(
            dense1, out_hbm.at[pl.ds((row0 + (_ROWS_PER_W - _G)) * _A,
                                     _G * _A)], sem_out1).wait()
        start_x = win_start(pos_end)
        lr, cl, vl, s_row, s_cv = sets[0]
        pltpu.make_async_copy(row_hbm.at[pl.ds(start_x, _BUF)],
                              lr.at[pl.ds(0, _BUF)], s_row).wait()
        pltpu.make_async_copy(col_hbm.at[pl.ds(start_x, _BUF)],
                              cl.at[pl.ds(0, _BUF)], s_cv).wait()
        pltpu.make_async_copy(val_hbm.at[pl.ds(start_x, _BUF)],
                              vl.at[pl.ds(0, _BUF)], s_cv).wait()

    return pl.kernel(
        body,
        out_type=jax.ShapeDtypeStruct((_A * _A,), jnp.float32),
        mesh=mesh,
        compiler_params=pltpu.CompilerParams(needs_layout_passes=False),
        scratch_types=[
            pltpu.VMEM((_CBUF,), jnp.int32),
            pltpu.VMEM((_CBUF,), jnp.int32),
            pltpu.VMEM((_CBUF,), jnp.float32),
            pltpu.VMEM((_CBUF,), jnp.int32),
            pltpu.VMEM((_CBUF,), jnp.int32),
            pltpu.VMEM((_CBUF,), jnp.float32),
            pltpu.VMEM((_G * _A,), jnp.float32),
            pltpu.VMEM((_G * _A,), jnp.float32),
            pltpu.VMEM((16,), jnp.int32),
            pltpu.SemaphoreType.DMA,
            pltpu.SemaphoreType.DMA,
            pltpu.SemaphoreType.DMA,
            pltpu.SemaphoreType.DMA,
            pltpu.SemaphoreType.DMA,
            pltpu.SemaphoreType.DMA,
            pltpu.SemaphoreType.DMA,
        ],
    )


def kernel(learn_row, learn_col, bias_param):
    n = int(learn_col.shape[0])
    n8 = (n // 8) * 8
    rem = n - n8
    if rem:
        pad_i = jnp.zeros((8 - rem,), jnp.int32)
        pad_f = jnp.zeros((8 - rem,), jnp.float32)
        trow = jnp.concatenate([learn_row[n8:], pad_i])
        tcol = jnp.concatenate([learn_col[n8:], pad_i])
        tval = jnp.concatenate([bias_param[n8:], pad_f])
    else:
        trow = jnp.zeros((8,), jnp.int32)
        tcol = jnp.zeros((8,), jnp.int32)
        tval = jnp.zeros((8,), jnp.float32)
    out = _build_sc_call(n)(learn_row, learn_col, bias_param,
                            trow, tcol, tval)
    return out.reshape(1, _A, _A)

# --- scband reference (transcript-rebuilt; emitter-appended) ---
"""Pipeline reference for scband-trainable-small-world-12111807775167 (READ-ONLY COPY).

The authoritative reference and input builder live on the scoring server;
editing this copy changes nothing except your own understanding.
"""

import jax, jax.numpy as jnp
import numpy as np
import math

A = 4096
K = 10
P = 0.3
FREEZE_FRAC = 0.5


def _watts_strogatz_adj(n, k, p, rng):
    idx = np.arange(n)
    adj = np.zeros((n, n), dtype=bool)
    for d in range(1, k // 2 + 1):
        adj[idx, (idx + d) % n] = True
        adj[idx, (idx - d) % n] = True
    # rewiring pass (vectorized approximation of nx.watts_strogatz_graph)
    for d in range(1, k // 2 + 1):
        rewire = rng.random(n) < p
        src = idx[rewire]
        if src.size == 0:
            continue
        old_dst = (src + d) % n
        new_dst = rng.integers(0, n, size=src.shape[0])
        ok = (new_dst != src) & (~adj[src, new_dst])
        src, old_dst, new_dst = src[ok], old_dst[ok], new_dst[ok]
        adj[src, old_dst] = False
        adj[old_dst, src] = False
        adj[src, new_dst] = True
        adj[new_dst, src] = True
    return adj


def setup_inputs() -> dict:
    rng = np.random.default_rng(0)
    adj = _watts_strogatz_adj(A, K, P, rng)
    # zeros = absent edges; freeze a fraction of them permanently at -inf
    zeros = np.argwhere(~adj)
    n_freeze = int(math.ceil(len(zeros) * FREEZE_FRAC))
    perm = rng.permutation(len(zeros))[:n_freeze]
    frozen = zeros[perm]
    learn_mask = np.ones((A, A), dtype=bool)
    learn_mask[frozen[:, 0], frozen[:, 1]] = False
    learnable_idx = np.argwhere(learn_mask)
    learn_row = jnp.asarray(learnable_idx[:, 0], dtype=jnp.int32)
    learn_col = jnp.asarray(learnable_idx[:, 1], dtype=jnp.int32)
    # init: zeros everywhere (present-edge entries explicitly set to 0.0, same value)
    bias_param = jnp.zeros((learnable_idx.shape[0],), dtype=jnp.float32)
    return {"learn_row": learn_row, "learn_col": learn_col, "bias_param": bias_param}


def reference(learn_row, learn_col, bias_param):
    bias = jnp.full((A, A), -jnp.inf, dtype=bias_param.dtype)
    bias = bias.at[learn_row, learn_col].set(bias_param)
    d = jnp.arange(A)
    bias = bias.at[d, d].set(1.0)
    # symmetric=False -> no symmetrization
    return bias[None, :, :]

if __name__ == "__main__":
    import jax
    _d = setup_inputs()
    print(jax.jit(kernel)(*tuple(_d.values())))

</pallas_src>

<mosaic_0001>
#map = affine_map<(d0, d1) -> (0)>
module attributes {stable_mosaic.version = 14 : i64} {
  func.func @body(%arg0: i32, %arg1: i32, %arg2: memref<8409088xi32, #tpu.memory_space<hbm>>, %arg3: memref<8409088xi32, #tpu.memory_space<hbm>>, %arg4: memref<8409088xf32, #tpu.memory_space<hbm>>, %arg5: memref<8xi32, #tpu.memory_space<hbm>>, %arg6: memref<8xi32, #tpu.memory_space<hbm>>, %arg7: memref<8xf32, #tpu.memory_space<hbm>>, %arg8: memref<16777216xf32, #tpu.memory_space<hbm>>, %arg9: memref<8224xi32, #tpu.memory_space<vmem>>, %arg10: memref<8224xi32, #tpu.memory_space<vmem>>, %arg11: memref<8224xf32, #tpu.memory_space<vmem>>, %arg12: memref<8224xi32, #tpu.memory_space<vmem>>, %arg13: memref<8224xi32, #tpu.memory_space<vmem>>, %arg14: memref<8224xf32, #tpu.memory_space<vmem>>, %arg15: memref<8192xf32, #tpu.memory_space<vmem>>, %arg16: memref<8192xf32, #tpu.memory_space<vmem>>, %arg17: memref<16xi32, #tpu.memory_space<vmem>>, %arg18: memref<!tpu.dma_semaphore, #tpu.memory_space<semaphore_mem>>, %arg19: memref<!tpu.dma_semaphore, #tpu.memory_space<semaphore_mem>>, %arg20: memref<!tpu.dma_semaphore, #tpu.memory_space<semaphore_mem>>, %arg21: memref<!tpu.dma_semaphore, #tpu.memory_space<semaphore_mem>>, %arg22: memref<!tpu.dma_semaphore, #tpu.memory_space<semaphore_mem>>, %arg23: memref<!tpu.dma_semaphore, #tpu.memory_space<semaphore_mem>>, %arg24: memref<!tpu.dma_semaphore, #tpu.memory_space<semaphore_mem>>) attributes {dimension_semantics = [#tpu.dimension_semantics<core_parallel>, #tpu.dimension_semantics<subcore_parallel>], iteration_bounds = array<i64: 2, 16>, scalar_prefetch = 0 : i64, scratch_operands = 16 : i64, tpu.core_type = #tpu.core_type<sc_vector_subcore>, window_params = [{transform_indices = #map}, {transform_indices = #map}, {transform_indices = #map}, {transform_indices = #map}, {transform_indices = #map}, {transform_indices = #map}, {transform_indices = #map}]} {
    %mul3A = arith.constant 2 : i32
    %mul3A_0 = arith.muli %arg1, %mul3A : i32
    %add3A = arith.addi %mul3A_0, %arg0 : i32
    %mul3A_1 = arith.constant 128 : i32
    %mul3A_2 = arith.muli %add3A, %mul3A_1 : i32
    %iota3A = tpu.iota {dimensions = array<i32: 0>} : vector<16xi32>
    "tpu.region"() ({
      %run_scoped3A = tpu.sem_alloc : memref<!tpu.dma_semaphore, #tpu.memory_space<semaphore_mem>>
      %dma_start3A_87 = arith.constant 8200 : i32
      %dma_start3A_88 = tpu.memref_slice %arg9[%dma_start3A_87] : memref<8224xi32, #tpu.memory_space<vmem>> -> memref<8xi32, #tpu.memory_space<vmem>>
      %dma_start3A_89 = arith.constant 8200 : i32
      %dma_start3A_90 = tpu.memref_slice %arg9[%dma_start3A_89] : memref<8224xi32, #tpu.memory_space<vmem>> -> memref<8xi32, #tpu.memory_space<vmem>>
      tpu.enqueue_dma source(%arg5 : memref<8xi32, #tpu.memory_space<hbm>>) target(%dma_start3A_90 : memref<8xi32, #tpu.memory_space<vmem>>) target_semaphore(%run_scoped3A : memref<!tpu.dma_semaphore, #tpu.memory_space<semaphore_mem>>)
      %dma_wait3A_91 = arith.constant 8200 : i32
      %dma_wait3A_92 = tpu.memref_slice %arg9[%dma_wait3A_91] : memref<8224xi32, #tpu.memory_space<vmem>> -> memref<8xi32, #tpu.memory_space<vmem>>
      %dma_wait3A_93 = arith.constant 8200 : i32
      %dma_wait3A_94 = tpu.memref_slice %arg9[%dma_wait3A_93] : memref<8224xi32, #tpu.memory_space<vmem>> -> memref<8xi32, #tpu.memory_space<vmem>>
      tpu.wait_dma2 semaphore(%run_scoped3A : memref<!tpu.dma_semaphore, #tpu.memory_space<semaphore_mem>>) src(%arg5 : memref<8xi32, #tpu.memory_space<hbm>>) dst(%dma_wait3A_94 : memref<8xi32, #tpu.memory_space<vmem>>)
      tpu.yield
    }) : () -> ()
    "tpu.region"() ({
      %run_scoped3A = tpu.sem_alloc : memref<!tpu.dma_semaphore, #tpu.memory_space<semaphore_mem>>
      %dma_start3A_87 = arith.constant 8200 : i32
      %dma_start3A_88 = tpu.memref_slice %arg10[%dma_start3A_87] : memref<8224xi32, #tpu.memory_space<vmem>> -> memref<8xi32, #tpu.memory_space<vmem>>
      %dma_start3A_89 = arith.constant 8200 : i32
      %dma_start3A_90 = tpu.memref_slice %arg10[%dma_start3A_89] : memref<8224xi32, #tpu.memory_space<vmem>> -> memref<8xi32, #tpu.memory_space<vmem>>
      tpu.enqueue_dma source(%arg6 : memref<8xi32, #tpu.memory_space<hbm>>) target(%dma_start3A_90 : memref<8xi32, #tpu.memory_space<vmem>>) target_semaphore(%run_scoped3A : memref<!tpu.dma_semaphore, #tpu.memory_space<semaphore_mem>>)
      %dma_wait3A_91 = arith.constant 8200 : i32
      %dma_wait3A_92 = tpu.memref_slice %arg10[%dma_wait3A_91] : memref<8224xi32, #tpu.memory_space<vmem>> -> memref<8xi32, #tpu.memory_space<vmem>>
      %dma_wait3A_93 = arith.constant 8200 : i32
      %dma_wait3A_94 = tpu.memref_slice %arg10[%dma_wait3A_93] : memref<8224xi32, #tpu.memory_space<vmem>> -> memref<8xi32, #tpu.memory_space<vmem>>
      tpu.wait_dma2 semaphore(%run_scoped3A : memref<!tpu.dma_semaphore, #tpu.memory_space<semaphore_mem>>) src(%arg6 : memref<8xi32, #tpu.memory_space<hbm>>) dst(%dma_wait3A_94 : memref<8xi32, #tpu.memory_space<vmem>>)
      tpu.yield
    }) : () -> ()
    "tpu.region"() ({
      %run_scoped3A = tpu.sem_alloc : memref<!tpu.dma_semaphore, #tpu.memory_space<semaphore_mem>>
      %dma_start3A_87 = arith.constant 8200 : i32
      %dma_start3A_88 = tpu.memref_slice %arg11[%dma_start3A_87] : memref<8224xf32, #tpu.memory_space<vmem>> -> memref<8xf32, #tpu.memory_space<vmem>>
      %dma_start3A_89 = arith.constant 8200 : i32
      %dma_start3A_90 = tpu.memref_slice %arg11[%dma_start3A_89] : memref<8224xf32, #tpu.memory_space<vmem>> -> memref<8xf32, #tpu.memory_space<vmem>>
      tpu.enqueue_dma source(%arg7 : memref<8xf32, #tpu.memory_space<hbm>>) target(%dma_start3A_90 : memref<8xf32, #tpu.memory_space<vmem>>) target_semaphore(%run_scoped3A : memref<!tpu.dma_semaphore, #tpu.memory_space<semaphore_mem>>)
      %dma_wait3A_91 = arith.constant 8200 : i32
      %dma_wait3A_92 = tpu.memref_slice %arg11[%dma_wait3A_91] : memref<8224xf32, #tpu.memory_space<vmem>> -> memref<8xf32, #tpu.memory_space<vmem>>
      %dma_wait3A_93 = arith.constant 8200 : i32
      %dma_wait3A_94 = tpu.memref_slice %arg11[%dma_wait3A_93] : memref<8224xf32, #tpu.memory_space<vmem>> -> memref<8xf32, #tpu.memory_space<vmem>>
      tpu.wait_dma2 semaphore(%run_scoped3A : memref<!tpu.dma_semaphore, #tpu.memory_space<semaphore_mem>>) src(%arg7 : memref<8xf32, #tpu.memory_space<hbm>>) dst(%dma_wait3A_94 : memref<8xf32, #tpu.memory_space<vmem>>)
      tpu.yield
    }) : () -> ()
    "tpu.region"() ({
      %run_scoped3A = tpu.sem_alloc : memref<!tpu.dma_semaphore, #tpu.memory_space<semaphore_mem>>
      %dma_start3A_87 = arith.constant 8200 : i32
      %dma_start3A_88 = tpu.memref_slice %arg12[%dma_start3A_87] : memref<8224xi32, #tpu.memory_space<vmem>> -> memref<8xi32, #tpu.memory_space<vmem>>
      %dma_start3A_89 = arith.constant 8200 : i32
      %dma_start3A_90 = tpu.memref_slice %arg12[%dma_start3A_89] : memref<8224xi32, #tpu.memory_space<vmem>> -> memref<8xi32, #tpu.memory_space<vmem>>
      tpu.enqueue_dma source(%arg5 : memref<8xi32, #tpu.memory_space<hbm>>) target(%dma_start3A_90 : memref<8xi32, #tpu.memory_space<vmem>>) target_semaphore(%run_scoped3A : memref<!tpu.dma_semaphore, #tpu.memory_space<semaphore_mem>>)
      %dma_wait3A_91 = arith.constant 8200 : i32
      %dma_wait3A_92 = tpu.memref_slice %arg12[%dma_wait3A_91] : memref<8224xi32, #tpu.memory_space<vmem>> -> memref<8xi32, #tpu.memory_space<vmem>>
      %dma_wait3A_93 = arith.constant 8200 : i32
      %dma_wait3A_94 = tpu.memref_slice %arg12[%dma_wait3A_93] : memref<8224xi32, #tpu.memory_space<vmem>> -> memref<8xi32, #tpu.memory_space<vmem>>
      tpu.wait_dma2 semaphore(%run_scoped3A : memref<!tpu.dma_semaphore, #tpu.memory_space<semaphore_mem>>) src(%arg5 : memref<8xi32, #tpu.memory_space<hbm>>) dst(%dma_wait3A_94 : memref<8xi32, #tpu.memory_space<vmem>>)
      tpu.yield
    }) : () -> ()
    "tpu.region"() ({
      %run_scoped3A = tpu.sem_alloc : memref<!tpu.dma_semaphore, #tpu.memory_space<semaphore_mem>>
      %dma_start3A_87 = arith.constant 8200 : i32
      %dma_start3A_88 = tpu.memref_slice %arg13[%dma_start3A_87] : memref<8224xi32, #tpu.memory_space<vmem>> -> memref<8xi32, #tpu.memory_space<vmem>>
      %dma_start3A_89 = arith.constant 8200 : i32
      %dma_start3A_90 = tpu.memref_slice %arg13[%dma_start3A_89] : memref<8224xi32, #tpu.memory_space<vmem>> -> memref<8xi32, #tpu.memory_space<vmem>>
      tpu.enqueue_dma source(%arg6 : memref<8xi32, #tpu.memory_space<hbm>>) target(%dma_start3A_90 : memref<8xi32, #tpu.memory_space<vmem>>) target_semaphore(%run_scoped3A : memref<!tpu.dma_semaphore, #tpu.memory_space<semaphore_mem>>)
      %dma_wait3A_91 = arith.constant 8200 : i32
      %dma_wait3A_92 = tpu.memref_slice %arg13[%dma_wait3A_91] : memref<8224xi32, #tpu.memory_space<vmem>> -> memref<8xi32, #tpu.memory_space<vmem>>
      %dma_wait3A_93 = arith.constant 8200 : i32
      %dma_wait3A_94 = tpu.memref_slice %arg13[%dma_wait3A_93] : memref<8224xi32, #tpu.memory_space<vmem>> -> memref<8xi32, #tpu.memory_space<vmem>>
      tpu.wait_dma2 semaphore(%run_scoped3A : memref<!tpu.dma_semaphore, #tpu.memory_space<semaphore_mem>>) src(%arg6 : memref<8xi32, #tpu.memory_space<hbm>>) dst(%dma_wait3A_94 : memref<8xi32, #tpu.memory_space<vmem>>)
      tpu.yield
    }) : () -> ()
    "tpu.region"() ({
      %run_scoped3A = tpu.sem_alloc : memref<!tpu.dma_semaphore, #tpu.memory_space<semaphore_mem>>
      %dma_start3A_87 = arith.constant 8200 : i32
      %dma_start3A_88 = tpu.memref_slice %arg14[%dma_start3A_87] : memref<8224xf32, #tpu.memory_space<vmem>> -> memref<8xf32, #tpu.memory_space<vmem>>
      %dma_start3A_89 = arith.constant 8200 : i32
      %dma_start3A_90 = tpu.memref_slice %arg14[%dma_start3A_89] : memref<8224xf32, #tpu.memory_space<vmem>> -> memref<8xf32, #tpu.memory_space<vmem>>
      tpu.enqueue_dma source(%arg7 : memref<8xf32, #tpu.memory_space<hbm>>) target(%dma_start3A_90 : memref<8xf32, #tpu.memory_space<vmem>>) target_semaphore(%run_scoped3A : memref<!tpu.dma_semaphore, #tpu.memory_space<semaphore_mem>>)
      %dma_wait3A_91 = arith.constant 8200 : i32
      %dma_wait3A_92 = tpu.memref_slice %arg14[%dma_wait3A_91] : memref<8224xf32, #tpu.memory_space<vmem>> -> memref<8xf32, #tpu.memory_space<vmem>>
      %dma_wait3A_93 = arith.constant 8200 : i32
      %dma_wait3A_94 = tpu.memref_slice %arg14[%dma_wait3A_93] : memref<8224xf32, #tpu.memory_space<vmem>> -> memref<8xf32, #tpu.memory_space<vmem>>
      tpu.wait_dma2 semaphore(%run_scoped3A : memref<!tpu.dma_semaphore, #tpu.memory_space<semaphore_mem>>) src(%arg7 : memref<8xf32, #tpu.memory_space<hbm>>) dst(%dma_wait3A_94 : memref<8xf32, #tpu.memory_space<vmem>>)
      tpu.yield
    }) : () -> ()
    %broadcast_in_dim3A = vector.broadcast %mul3A_2 : i32 to vector<16xi32>
    %broadcast_in_dim3A_3 = arith.constant 0 : i32
    %broadcast_in_dim3A_4 = vector.broadcast %broadcast_in_dim3A_3 : i32 to vector<16xi32>
    %broadcast_in_dim3A_5 = arith.constant 8409089 : i32
    %broadcast_in_dim3A_6 = vector.broadcast %broadcast_in_dim3A_5 : i32 to vector<16xi32>
    %scan3A = arith.constant 0 : i32
    %scan3A_7 = arith.constant 7 : i32
    %scan3A_8 = arith.addi %scan3A, %scan3A_7 : i32
    %scan3A_9 = arith.constant 1 : i32
    %scan3A_10:2 = scf.for %scan3A_87 = %scan3A to %scan3A_8 step %scan3A_9 iter_args(%scan3A_88 = %broadcast_in_dim3A_4, %scan3A_89 = %broadcast_in_dim3A_6) -> (vector<16xi32>, vector<16xi32>)  : i32 {
      %add3A_90 = arith.constant 15 : i32
      %add3A_91 = vector.broadcast %add3A_90 : i32 to vector<16xi32>
      %add3A_92 = arith.addi %scan3A_89, %add3A_91 : vector<16xi32>
      %jit3A = arith.constant 16 : i32
      %div3A = vector.broadcast %jit3A : i32 to vector<16xi32>
      %div3A_93 = arith.divsi %add3A_92, %div3A : vector<16xi32>
      %sign3A = arith.constant 0 : i32
      %sign3A_94 = vector.broadcast %sign3A : i32 to vector<16xi32>
      %sign3A_95 = arith.cmpi sgt, %add3A_92, %sign3A_94 : vector<16xi32>
      %sign3A_96 = arith.extui %sign3A_95 : vector<16xi1> to vector<16xi32>
      %sign3A_97 = arith.constant 0 : i32
      %sign3A_98 = vector.broadcast %sign3A_97 : i32 to vector<16xi32>
      %sign3A_99 = arith.cmpi slt, %add3A_92, %sign3A_98 : vector<16xi32>
      %sign3A_100 = arith.extui %sign3A_99 : vector<16xi1> to vector<16xi32>
      %sign3A_101 = arith.subi %sign3A_96, %sign3A_100 : vector<16xi32>
      %sign3A_102 = arith.constant 0 : i32
      %sign3A_103 = arith.cmpi sgt, %jit3A, %sign3A_102 : i32
      %sign3A_104 = arith.extui %sign3A_103 : i1 to i32
      %sign3A_105 = arith.constant 0 : i32
      %sign3A_106 = arith.cmpi slt, %jit3A, %sign3A_105 : i32
      %sign3A_107 = arith.extui %sign3A_106 : i1 to i32
      %sign3A_108 = arith.subi %sign3A_104, %sign3A_107 : i32
      %ne3A = vector.broadcast %sign3A_108 : i32 to vector<16xi32>
      %ne3A_109 = arith.cmpi ne, %sign3A_101, %ne3A : vector<16xi32>
      %rem3A = vector.broadcast %jit3A : i32 to vector<16xi32>
      %rem3A_110 = arith.remsi %add3A_92, %rem3A : vector<16xi32>
      %ne3A_111 = arith.constant 0 : i32
      %ne3A_112 = vector.broadcast %ne3A_111 : i32 to vector<16xi32>
      %ne3A_113 = arith.cmpi ne, %rem3A_110, %ne3A_112 : vector<16xi32>
      %and3A = arith.andi %ne3A_109, %ne3A_113 : vector<16xi1>
      %sub3A = arith.constant 1 : i32
      %sub3A_114 = vector.broadcast %sub3A : i32 to vector<16xi32>
      %sub3A_115 = arith.subi %div3A_93, %sub3A_114 : vector<16xi32>
      %select_n3A = arith.select %and3A, %sub3A_115, %div3A_93 : vector<16xi1>, vector<16xi32>
      %mul3A_116 = arith.muli %iota3A, %select_n3A : vector<16xi32>
      %add3A_117 = arith.addi %scan3A_88, %mul3A_116 : vector<16xi32>
      %min3A_118 = arith.constant 8409087 : i32
      %min3A_119 = vector.broadcast %min3A_118 : i32 to vector<16xi32>
      %min3A_120 = arith.minsi %add3A_117, %min3A_119 : vector<16xi32>
      %dma_start3A_121 = arith.constant 0 : i32
      %dma_start3A_122 = tpu.memref_slice %arg2[%dma_start3A_121] : memref<8409088xi32, #tpu.memory_space<hbm>> -> memref<8409088xi32, #tpu.memory_space<hbm>>
      tpu.enqueue_indirect_dma source(%dma_start3A_122 : memref<8409088xi32, #tpu.memory_space<hbm>>) target(%arg17 : memref<16xi32, #tpu.memory_space<vmem>>) offsets(%min3A_120 : vector<16xi32>) semaphore(%arg18 : memref<!tpu.dma_semaphore, #tpu.memory_space<semaphore_mem>>)
      %dma_wait3A_123 = arith.constant 0 : i32
      %dma_wait3A_124 = tpu.memref_slice %arg2[%dma_wait3A_123] : memref<8409088xi32, #tpu.memory_space<hbm>> -> memref<8409088xi32, #tpu.memory_space<hbm>>
      tpu.wait_indirect_dma semaphore(%arg18 : memref<!tpu.dma_semaphore, #tpu.memory_space<semaphore_mem>>) src(%dma_wait3A_124 : memref<8409088xi32, #tpu.memory_space<hbm>>) dst(%arg17 : memref<16xi32, #tpu.memory_space<vmem>>)
      %get3A = arith.constant 0 : index
      %get3A_125 = tpu.vector_load %arg17[%get3A] {strides = array<i32>} : memref<16xi32, #tpu.memory_space<vmem>>, vector<16xi32>,
      %add3A_126 = arith.addi %scan3A_88, %scan3A_89 : vector<16xi32>
      %lt3A = arith.cmpi slt, %add3A_117, %add3A_126 : vector<16xi32>
      %lt3A_127 = arith.constant 8409088 : i32
      %lt3A_128 = vector.broadcast %lt3A_127 : i32 to vector<16xi32>
      %lt3A_129 = arith.cmpi slt, %add3A_117, %lt3A_128 : vector<16xi32>
      %and3A_130 = arith.andi %lt3A, %lt3A_129 : vector<16xi1>
      %lt3A_131 = arith.cmpi slt, %get3A_125, %broadcast_in_dim3A : vector<16xi32>
      %and3A_132 = arith.andi %and3A_130, %lt3A_131 : vector<16xi1>
      %all_reduce_population_count3A = tpu.all_reduce %and3A_132 {dim = 0 : i64, kind = #tpu.reduction_kind<sum>} : vector<16xi1> -> vector<16xi32>
      %sub3A_133 = arith.constant 1 : i32
      %sub3A_134 = vector.broadcast %sub3A_133 : i32 to vector<16xi32>
      %sub3A_135 = arith.subi %all_reduce_population_count3A, %sub3A_134 : vector<16xi32>
      %mul3A_136 = arith.muli %sub3A_135, %select_n3A : vector<16xi32>
      %add3A_137 = arith.constant 1 : i32
      %add3A_138 = vector.broadcast %add3A_137 : i32 to vector<16xi32>
      %add3A_139 = arith.addi %mul3A_136, %add3A_138 : vector<16xi32>
      %gt3A = arith.constant 0 : i32
      %gt3A_140 = vector.broadcast %gt3A : i32 to vector<16xi32>
      %gt3A_141 = arith.cmpi sgt, %all_reduce_population_count3A, %gt3A_140 : vector<16xi32>
      %jit3A_142 = arith.constant 0 : i32
      %broadcast_in_dim3A_143 = vector.broadcast %jit3A_142 : i32 to vector<16xi32>
      %select_n3A_144 = arith.select %gt3A_141, %add3A_139, %broadcast_in_dim3A_143 : vector<16xi1>, vector<16xi32>
      %add3A_145 = arith.addi %scan3A_88, %select_n3A_144 : vector<16xi32>
      %gt3A_146 = arith.constant 0 : i32
      %gt3A_147 = vector.broadcast %gt3A_146 : i32 to vector<16xi32>
      %gt3A_148 = arith.cmpi sgt, %all_reduce_population_count3A, %gt3A_147 : vector<16xi32>
      %sub3A_149 = arith.subi %scan3A_89, %add3A_139 : vector<16xi32>
      %min3A_150 = arith.minsi %select_n3A, %sub3A_149 : vector<16xi32>
      %max3A = arith.constant 1 : i32
      %max3A_151 = vector.broadcast %max3A : i32 to vector<16xi32>
      %max3A_152 = arith.maxsi %min3A_150, %max3A_151 : vector<16xi32>
      %jit3A_153 = arith.constant 1 : i32
      %broadcast_in_dim3A_154 = vector.broadcast %jit3A_153 : i32 to vector<16xi32>
      %select_n3A_155 = arith.select %gt3A_148, %max3A_152, %broadcast_in_dim3A_154 : vector<16xi1>, vector<16xi32>
      scf.yield %add3A_145, %select_n3A_155 : vector<16xi32>, vector<16xi32>
    }
    %scan3A_11 = arith.constant 7 : i32
    %reduce_max3A = arith.constant true
    %reduce_max3A_12 = vector.broadcast %reduce_max3A : i1 to vector<16xi1>
    %reduce_max3A_13 = arith.constant -2147483648 : i32
    %reduce_max3A_14 = vector.broadcast %reduce_max3A_13 : i32 to vector<16xi32>
    %reduce_max3A_15 = arith.xori %scan3A_10#0, %reduce_max3A_14 : vector<16xi32>
    %reduce_max3A_16 = tpu.scan <max>, %reduce_max3A_15 masked %reduce_max3A_12 : vector<16xi32>, vector<16xi1> -> vector<16xi32>
    %reduce_max3A_17 = arith.xori %reduce_max3A_16, %reduce_max3A_14 : vector<16xi32>
    %reduce_max3A_18 = vector.extract %reduce_max3A_17[15] : i32 from vector<16xi32>
    %broadcast_in_dim3A_19 = arith.constant 0xFF800000 : f32
    %broadcast_in_dim3A_20 = vector.broadcast %broadcast_in_dim3A_19 : f32 to vector<16xf32>
    %broadcast_in_dim3A_21 = arith.constant 1.000000e+00 : f32
    %broadcast_in_dim3A_22 = vector.broadcast %broadcast_in_dim3A_21 : f32 to vector<16xf32>
    %eq3A = arith.constant 0 : i32
    %eq3A_23 = vector.broadcast %eq3A : i32 to vector<16xi32>
    %eq3A_24 = arith.cmpi eq, %iota3A, %eq3A_23 : vector<16xi32>
    %shift_right_arithmetic3A = arith.constant 3 : i32
    %shift_right_arithmetic3A_25 = arith.shrsi %reduce_max3A_18, %shift_right_arithmetic3A : i32
    %shift_left3A = arith.constant 3 : i32
    %shift_left3A_26 = arith.shli %shift_right_arithmetic3A_25, %shift_left3A : i32
    %min3A = arith.constant 8400888 : i32
    %min3A_27 = arith.minsi %shift_left3A_26, %min3A : i32
    %multiple_of3A = tpu.assume_multiple %min3A_27, 8 : i32
    %dma_start3A = arith.constant 0 : i32
    %dma_start3A_28 = tpu.memref_slice %arg9[%dma_start3A] : memref<8224xi32, #tpu.memory_space<vmem>> -> memref<8200xi32, #tpu.memory_space<vmem>>
    %dma_start3A_29 = tpu.memref_slice %arg2[%multiple_of3A] : memref<8409088xi32, #tpu.memory_space<hbm>> -> memref<8200xi32, #tpu.memory_space<hbm>>
    %dma_start3A_30 = arith.constant 0 : i32
    %dma_start3A_31 = tpu.memref_slice %arg9[%dma_start3A_30] : memref<8224xi32, #tpu.memory_space<vmem>> -> memref<8200xi32, #tpu.memory_space<vmem>>
    %dma_start3A_32 = tpu.memref_slice %arg2[%multiple_of3A] : memref<8409088xi32, #tpu.memory_space<hbm>> -> memref<8200xi32, #tpu.memory_space<hbm>>
    tpu.enqueue_dma source(%dma_start3A_32 : memref<8200xi32, #tpu.memory_space<hbm>>) target(%dma_start3A_31 : memref<8200xi32, #tpu.memory_space<vmem>>) target_semaphore(%arg19 : memref<!tpu.dma_semaphore, #tpu.memory_space<semaphore_mem>>)
    %dma_start3A_33 = arith.constant 0 : i32
    %dma_start3A_34 = tpu.memref_slice %arg10[%dma_start3A_33] : memref<8224xi32, #tpu.memory_space<vmem>> -> memref<8200xi32, #tpu.memory_space<vmem>>
    %dma_start3A_35 = tpu.memref_slice %arg3[%multiple_of3A] : memref<8409088xi32, #tpu.memory_space<hbm>> -> memref<8200xi32, #tpu.memory_space<hbm>>
    %dma_start3A_36 = arith.constant 0 : i32
    %dma_start3A_37 = tpu.memref_slice %arg10[%dma_start3A_36] : memref<8224xi32, #tpu.memory_space<vmem>> -> memref<8200xi32, #tpu.memory_space<vmem>>
    %dma_start3A_38 = tpu.memref_slice %arg3[%multiple_of3A] : memref<8409088xi32, #tpu.memory_space<hbm>> -> memref<8200xi32, #tpu.memory_space<hbm>>
    tpu.enqueue_dma source(%dma_start3A_38 : memref<8200xi32, #tpu.memory_space<hbm>>) target(%dma_start3A_37 : memref<8200xi32, #tpu.memory_space<vmem>>) target_semaphore(%arg21 : memref<!tpu.dma_semaphore, #tpu.memory_space<semaphore_mem>>)
    %dma_start3A_39 = arith.constant 0 : i32
    %dma_start3A_40 = tpu.memref_slice %arg11[%dma_start3A_39] : memref<8224xf32, #tpu.memory_space<vmem>> -> memref<8200xf32, #tpu.memory_space<vmem>>
    %dma_start3A_41 = tpu.memref_slice %arg4[%multiple_of3A] : memref<8409088xf32, #tpu.memory_space<hbm>> -> memref<8200xf32, #tpu.memory_space<hbm>>
    %dma_start3A_42 = arith.constant 0 : i32
    %dma_start3A_43 = tpu.memref_slice %arg11[%dma_start3A_42] : memref<8224xf32, #tpu.memory_space<vmem>> -> memref<8200xf32, #tpu.memory_space<vmem>>
    %dma_start3A_44 = tpu.memref_slice %arg4[%multiple_of3A] : memref<8409088xf32, #tpu.memory_space<hbm>> -> memref<8200xf32, #tpu.memory_space<hbm>>
    tpu.enqueue_dma source(%dma_start3A_44 : memref<8200xf32, #tpu.memory_space<hbm>>) target(%dma_start3A_43 : memref<8200xf32, #tpu.memory_space<vmem>>) target_semaphore(%arg21 : memref<!tpu.dma_semaphore, #tpu.memory_space<semaphore_mem>>)
    %scan3A_45 = arith.constant 0 : i32
    %scan3A_46 = arith.constant 32 : i32
    %scan3A_47 = arith.addi %scan3A_45, %scan3A_46 : i32
    %scan3A_48 = arith.constant 1 : i32
    %scan3A_49 = scf.for %scan3A_87 = %scan3A_45 to %scan3A_47 step %scan3A_48 iter_args(%scan3A_88 = %reduce_max3A_18) -> (i32)  : i32 {
      %mul3A_89 = arith.constant 2 : i32
      %mul3A_90 = arith.muli %scan3A_87, %mul3A_89 : i32
      %add3A_91 = arith.constant 0 : i32
      %add3A_92 = arith.addi %mul3A_90, %add3A_91 : i32
      %mul3A_93 = arith.constant 2 : i32
      %mul3A_94 = arith.muli %add3A_92, %mul3A_93 : i32
      %add3A_95 = arith.addi %mul3A_2, %mul3A_94 : i32
      %shift_right_arithmetic3A_96 = arith.constant 3 : i32
      %shift_right_arithmetic3A_97 = arith.shrsi %scan3A_88, %shift_right_arithmetic3A_96 : i32
      %shift_left3A_98 = arith.constant 3 : i32
      %shift_left3A_99 = arith.shli %shift_right_arithmetic3A_97, %shift_left3A_98 : i32
      %min3A_100 = arith.constant 8400888 : i32
      %min3A_101 = arith.minsi %shift_left3A_99, %min3A_100 : i32
      %multiple_of3A_102 = tpu.assume_multiple %min3A_101, 8 : i32
      %sub3A = arith.subi %scan3A_88, %multiple_of3A_102 : i32
      %dma_wait3A_103 = arith.constant 0 : i32
      %dma_wait3A_104 = tpu.memref_slice %arg9[%dma_wait3A_103] : memref<8224xi32, #tpu.memory_space<vmem>> -> memref<8200xi32, #tpu.memory_space<vmem>>
      %dma_wait3A_105 = tpu.memref_slice %arg2[%multiple_of3A_102] : memref<8409088xi32, #tpu.memory_space<hbm>> -> memref<8200xi32, #tpu.memory_space<hbm>>
      %dma_wait3A_106 = arith.constant 0 : i32
      %dma_wait3A_107 = tpu.memref_slice %arg9[%dma_wait3A_106] : memref<8224xi32, #tpu.memory_space<vmem>> -> memref<8200xi32, #tpu.memory_space<vmem>>
      %dma_wait3A_108 = tpu.memref_slice %arg2[%multiple_of3A_102] : memref<8409088xi32, #tpu.memory_space<hbm>> -> memref<8200xi32, #tpu.memory_space<hbm>>
      tpu.wait_dma2 semaphore(%arg19 : memref<!tpu.dma_semaphore, #tpu.memory_space<semaphore_mem>>) src(%dma_wait3A_108 : memref<8200xi32, #tpu.memory_space<hbm>>) dst(%dma_wait3A_107 : memref<8200xi32, #tpu.memory_space<vmem>>)
      %sub3A_109 = arith.constant 8409088 : i32
      %sub3A_110 = arith.subi %sub3A_109, %multiple_of3A_102 : i32
      %min3A_111 = arith.constant 8208 : i32
      %min3A_112 = arith.minsi %min3A_111, %sub3A_110 : i32
      %add3A_113 = arith.constant 2 : i32
      %add3A_114 = arith.addi %add3A_95, %add3A_113 : i32
      %scan3A_115 = arith.constant 0 : i32
      %scan3A_116 = arith.constant 14 : i32
      %scan3A_117 = arith.addi %scan3A_115, %scan3A_116 : i32
      %scan3A_118 = arith.constant 1 : i32
      %scan3A_119:2 = scf.for %scan3A_382 = %scan3A_115 to %scan3A_117 step %scan3A_118 iter_args(%scan3A_383 = %sub3A, %scan3A_384 = %min3A_112) -> (i32, i32)  : i32 {
        %add3A_385 = arith.addi %scan3A_383, %scan3A_384 : i32
        %shift_right_arithmetic3A_386 = arith.constant 1 : i32
        %shift_right_arithmetic3A_387 = arith.shrsi %add3A_385, %shift_right_arithmetic3A_386 : i32
        %broadcast_in_dim3A_388 = vector.broadcast %shift_right_arithmetic3A_387 : i32 to vector<16xi32>
        %gather3A = tpu.vector_load_idx %arg9[%broadcast_in_dim3A_388] : memref<8224xi32, #tpu.memory_space<vmem>>[vector<16xi32>], vector<16xi32>,
        %reduce_max3A_389 = arith.constant true
        %reduce_max3A_390 = vector.broadcast %reduce_max3A_389 : i1 to vector<16xi1>
        %reduce_max3A_391 = arith.constant -2147483648 : i32
        %reduce_max3A_392 = vector.broadcast %reduce_max3A_391 : i32 to vector<16xi32>
        %reduce_max3A_393 = arith.xori %gather3A, %reduce_max3A_392 : vector<16xi32>
        %reduce_max3A_394 = tpu.scan <max>, %reduce_max3A_393 masked %reduce_max3A_390 : vector<16xi32>, vector<16xi1> -> vector<16xi32>
        %reduce_max3A_395 = arith.xori %reduce_max3A_394, %reduce_max3A_392 : vector<16xi32>
        %reduce_max3A_396 = vector.extract %reduce_max3A_395[15] : i32 from vector<16xi32>
        %ge3A_397 = arith.cmpi sge, %reduce_max3A_396, %add3A_114 : i32
        %lt3A_398 = arith.cmpi slt, %scan3A_383, %scan3A_384 : i32
        %add3A_399 = arith.constant 1 : i32
        %add3A_400 = arith.addi %shift_right_arithmetic3A_387, %add3A_399 : i32
        %select_n3A = arith.select %ge3A_397, %scan3A_383, %add3A_400 : i32
        %select_n3A_401 = arith.select %lt3A_398, %select_n3A, %scan3A_383 : i32
        %lt3A_402 = arith.cmpi slt, %scan3A_383, %scan3A_384 : i32
        %select_n3A_403 = arith.select %ge3A_397, %shift_right_arithmetic3A_387, %scan3A_384 : i32
        %select_n3A_404 = arith.select %lt3A_402, %select_n3A_403, %scan3A_384 : i32
        scf.yield %select_n3A_401, %select_n3A_404 : i32, i32
      }
      %scan3A_120 = arith.constant 14 : i32
      %add3A_121 = arith.addi %multiple_of3A_102, %scan3A_119#0 : i32
      %shift_right_arithmetic3A_122 = arith.constant 3 : i32
      %shift_right_arithmetic3A_123 = arith.shrsi %add3A_121, %shift_right_arithmetic3A_122 : i32
      %shift_left3A_124 = arith.constant 3 : i32
      %shift_left3A_125 = arith.shli %shift_right_arithmetic3A_123, %shift_left3A_124 : i32
      %min3A_126 = arith.constant 8400888 : i32
      %min3A_127 = arith.minsi %shift_left3A_125, %min3A_126 : i32
      %multiple_of3A_128 = tpu.assume_multiple %min3A_127, 8 : i32
      %dma_start3A_129 = arith.constant 0 : i32
      %dma_start3A_130 = tpu.memref_slice %arg12[%dma_start3A_129] : memref<8224xi32, #tpu.memory_space<vmem>> -> memref<8200xi32, #tpu.memory_space<vmem>>
      %dma_start3A_131 = tpu.memref_slice %arg2[%multiple_of3A_128] : memref<8409088xi32, #tpu.memory_space<hbm>> -> memref<8200xi32, #tpu.memory_space<hbm>>
      %dma_start3A_132 = arith.constant 0 : i32
      %dma_start3A_133 = tpu.memref_slice %arg12[%dma_start3A_132] : memref<8224xi32, #tpu.memory_space<vmem>> -> memref<8200xi32, #tpu.memory_space<vmem>>
      %dma_start3A_134 = tpu.memref_slice %arg2[%multiple_of3A_128] : memref<8409088xi32, #tpu.memory_space<hbm>> -> memref<8200xi32, #tpu.memory_space<hbm>>
      tpu.enqueue_dma source(%dma_start3A_134 : memref<8200xi32, #tpu.memory_space<hbm>>) target(%dma_start3A_133 : memref<8200xi32, #tpu.memory_space<vmem>>) target_semaphore(%arg20 : memref<!tpu.dma_semaphore, #tpu.memory_space<semaphore_mem>>)
      %dma_start3A_135 = arith.constant 0 : i32
      %dma_start3A_136 = tpu.memref_slice %arg13[%dma_start3A_135] : memref<8224xi32, #tpu.memory_space<vmem>> -> memref<8200xi32, #tpu.memory_space<vmem>>
      %dma_start3A_137 = tpu.memref_slice %arg3[%multiple_of3A_128] : memref<8409088xi32, #tpu.memory_space<hbm>> -> memref<8200xi32, #tpu.memory_space<hbm>>
      %dma_start3A_138 = arith.constant 0 : i32
      %dma_start3A_139 = tpu.memref_slice %arg13[%dma_start3A_138] : memref<8224xi32, #tpu.memory_space<vmem>> -> memref<8200xi32, #tpu.memory_space<vmem>>
      %dma_start3A_140 = tpu.memref_slice %arg3[%multiple_of3A_128] : memref<8409088xi32, #tpu.memory_space<hbm>> -> memref<8200xi32, #tpu.memory_space<hbm>>
      tpu.enqueue_dma source(%dma_start3A_140 : memref<8200xi32, #tpu.memory_space<hbm>>) target(%dma_start3A_139 : memref<8200xi32, #tpu.memory_space<vmem>>) target_semaphore(%arg22 : memref<!tpu.dma_semaphore, #tpu.memory_space<semaphore_mem>>)
      %dma_start3A_141 = arith.constant 0 : i32
      %dma_start3A_142 = tpu.memref_slice %arg14[%dma_start3A_141] : memref<8224xf32, #tpu.memory_space<vmem>> -> memref<8200xf32, #tpu.memory_space<vmem>>
      %dma_start3A_143 = tpu.memref_slice %arg4[%multiple_of3A_128] : memref<8409088xf32, #tpu.memory_space<hbm>> -> memref<8200xf32, #tpu.memory_space<hbm>>
      %dma_start3A_144 = arith.constant 0 : i32
      %dma_start3A_145 = tpu.memref_slice %arg14[%dma_start3A_144] : memref<8224xf32, #tpu.memory_space<vmem>> -> memref<8200xf32, #tpu.memory_space<vmem>>
      %dma_start3A_146 = tpu.memref_slice %arg4[%multiple_of3A_128] : memref<8409088xf32, #tpu.memory_space<hbm>> -> memref<8200xf32, #tpu.memory_space<hbm>>
      tpu.enqueue_dma source(%dma_start3A_146 : memref<8200xf32, #tpu.memory_space<hbm>>) target(%dma_start3A_145 : memref<8200xf32, #tpu.memory_space<vmem>>) target_semaphore(%arg22 : memref<!tpu.dma_semaphore, #tpu.memory_space<semaphore_mem>>)
      %ge3A = arith.constant 1 : i32
      %ge3A_147 = arith.cmpi sge, %scan3A_87, %ge3A : i32
      %convert_element_type3A = arith.extui %ge3A_147 : i1 to i32
      %cond3A = arith.constant 0 : i32
      %cond3A_148 = arith.cmpi ne, %convert_element_type3A, %cond3A : i32
      scf.if %cond3A_148 {
        %mul3A_382 = arith.constant 4096 : i32
        %mul3A_383 = arith.muli %add3A_95, %mul3A_382 : i32
        %dma_wait3A_384 = tpu.memref_slice %arg8[%mul3A_383] : memref<16777216xf32, #tpu.memory_space<hbm>> -> memref<8192xf32, #tpu.memory_space<hbm>>
        %dma_wait3A_385 = tpu.memref_slice %arg8[%mul3A_383] : memref<16777216xf32, #tpu.memory_space<hbm>> -> memref<8192xf32, #tpu.memory_space<hbm>>
        tpu.wait_dma2 semaphore(%arg23 : memref<!tpu.dma_semaphore, #tpu.memory_space<semaphore_mem>>) src(%arg15 : memref<8192xf32, #tpu.memory_space<vmem>>) dst(%dma_wait3A_385 : memref<8192xf32, #tpu.memory_space<hbm>>)
      } else {
      }
      %parallel_loop3A = arith.constant 0 : i32
      %parallel_loop3A_149 = arith.constant 64 : i32
      %parallel_loop3A_150 = arith.constant 1 : i32
      scf.for %parallel_loop3A_382 = %parallel_loop3A to %parallel_loop3A_149 step %parallel_loop3A_150  : i32 {
        %parallel_loop3A_383 = arith.constant 128 : i32
        %parallel_loop3A_384 = arith.muli %parallel_loop3A_382, %parallel_loop3A_383 : i32
        %parallel_loop3A_385 = arith.constant 0 : i32
        %parallel_loop3A_386 = arith.addi %parallel_loop3A_384, %parallel_loop3A_385 : i32
        %parallel_loop3A_387 = arith.index_cast %parallel_loop3A_386 : i32 to index
        %parallel_loop3A_388 = tpu.vector_load %arg15[%parallel_loop3A_387] {strides = array<i32>} : memref<8192xf32, #tpu.memory_space<vmem>>, vector<16xf32>,
        tpu.vector_store %arg15[%parallel_loop3A_387], %broadcast_in_dim3A_20 {strides = array<i32>} : memref<8192xf32, #tpu.memory_space<vmem>>, vector<16xf32>,
        %parallel_loop3A_389 = arith.constant 16 : i32
        %parallel_loop3A_390 = arith.addi %parallel_loop3A_384, %parallel_loop3A_389 : i32
        %parallel_loop3A_391 = arith.index_cast %parallel_loop3A_390 : i32 to index
        %parallel_loop3A_392 = tpu.vector_load %arg15[%parallel_loop3A_391] {strides = array<i32>} : memref<8192xf32, #tpu.memory_space<vmem>>, vector<16xf32>,
        tpu.vector_store %arg15[%parallel_loop3A_391], %broadcast_in_dim3A_20 {strides = array<i32>} : memref<8192xf32, #tpu.memory_space<vmem>>, vector<16xf32>,
        %parallel_loop3A_393 = arith.constant 32 : i32
        %parallel_loop3A_394 = arith.addi %parallel_loop3A_384, %parallel_loop3A_393 : i32
        %parallel_loop3A_395 = arith.index_cast %parallel_loop3A_394 : i32 to index
        %parallel_loop3A_396 = tpu.vector_load %arg15[%parallel_loop3A_395] {strides = array<i32>} : memref<8192xf32, #tpu.memory_space<vmem>>, vector<16xf32>,
        tpu.vector_store %arg15[%parallel_loop3A_395], %broadcast_in_dim3A_20 {strides = array<i32>} : memref<8192xf32, #tpu.memory_space<vmem>>, vector<16xf32>,
        %parallel_loop3A_397 = arith.constant 48 : i32
        %parallel_loop3A_398 = arith.addi %parallel_loop3A_384, %parallel_loop3A_397 : i32
        %parallel_loop3A_399 = arith.index_cast %parallel_loop3A_398 : i32 to index
        %parallel_loop3A_400 = tpu.vector_load %arg15[%parallel_loop3A_399] {strides = array<i32>} : memref<8192xf32, #tpu.memory_space<vmem>>, vector<16xf32>,
        tpu.vector_store %arg15[%parallel_loop3A_399], %broadcast_in_dim3A_20 {strides = array<i32>} : memref<8192xf32, #tpu.memory_space<vmem>>, vector<16xf32>,
        %parallel_loop3A_401 = arith.constant 64 : i32
        %parallel_loop3A_402 = arith.addi %parallel_loop3A_384, %parallel_loop3A_401 : i32
        %parallel_loop3A_403 = arith.index_cast %parallel_loop3A_402 : i32 to index
        %parallel_loop3A_404 = tpu.vector_load %arg15[%parallel_loop3A_403] {strides = array<i32>} : memref<8192xf32, #tpu.memory_space<vmem>>, vector<16xf32>,
        tpu.vector_store %arg15[%parallel_loop3A_403], %broadcast_in_dim3A_20 {strides = array<i32>} : memref<8192xf32, #tpu.memory_space<vmem>>, vector<16xf32>,
        %parallel_loop3A_405 = arith.constant 80 : i32
        %parallel_loop3A_406 = arith.addi %parallel_loop3A_384, %parallel_loop3A_405 : i32
        %parallel_loop3A_407 = arith.index_cast %parallel_loop3A_406 : i32 to index
        %parallel_loop3A_408 = tpu.vector_load %arg15[%parallel_loop3A_407] {strides = array<i32>} : memref<8192xf32, #tpu.memory_space<vmem>>, vector<16xf32>,
        tpu.vector_store %arg15[%parallel_loop3A_407], %broadcast_in_dim3A_20 {strides = array<i32>} : memref<8192xf32, #tpu.memory_space<vmem>>, vector<16xf32>,
        %parallel_loop3A_409 = arith.constant 96 : i32
        %parallel_loop3A_410 = arith.addi %parallel_loop3A_384, %parallel_loop3A_409 : i32
        %parallel_loop3A_411 = arith.index_cast %parallel_loop3A_410 : i32 to index
        %parallel_loop3A_412 = tpu.vector_load %arg15[%parallel_loop3A_411] {strides = array<i32>} : memref<8192xf32, #tpu.memory_space<vmem>>, vector<16xf32>,
        tpu.vector_store %arg15[%parallel_loop3A_411], %broadcast_in_dim3A_20 {strides = array<i32>} : memref<8192xf32, #tpu.memory_space<vmem>>, vector<16xf32>,
        %parallel_loop3A_413 = arith.constant 112 : i32
        %parallel_loop3A_414 = arith.addi %parallel_loop3A_384, %parallel_loop3A_413 : i32
        %parallel_loop3A_415 = arith.index_cast %parallel_loop3A_414 : i32 to index
        %parallel_loop3A_416 = tpu.vector_load %arg15[%parallel_loop3A_415] {strides = array<i32>} : memref<8192xf32, #tpu.memory_space<vmem>>, vector<16xf32>,
        tpu.vector_store %arg15[%parallel_loop3A_415], %broadcast_in_dim3A_20 {strides = array<i32>} : memref<8192xf32, #tpu.memory_space<vmem>>, vector<16xf32>,
      } {sc.loop_unroll_factor = 2 : i64, sc.parallel_access}
      %dma_wait3A_151 = arith.constant 0 : i32
      %dma_wait3A_152 = tpu.memref_slice %arg10[%dma_wait3A_151] : memref<8224xi32, #tpu.memory_space<vmem>> -> memref<8200xi32, #tpu.memory_space<vmem>>
      %dma_wait3A_153 = tpu.memref_slice %arg3[%multiple_of3A_102] : memref<8409088xi32, #tpu.memory_space<hbm>> -> memref<8200xi32, #tpu.memory_space<hbm>>
      %dma_wait3A_154 = arith.constant 0 : i32
      %dma_wait3A_155 = tpu.memref_slice %arg10[%dma_wait3A_154] : memref<8224xi32, #tpu.memory_space<vmem>> -> memref<8200xi32, #tpu.memory_space<vmem>>
      %dma_wait3A_156 = tpu.memref_slice %arg3[%multiple_of3A_102] : memref<8409088xi32, #tpu.memory_space<hbm>> -> memref<8200xi32, #tpu.memory_space<hbm>>
      tpu.wait_dma2 semaphore(%arg21 : memref<!tpu.dma_semaphore, #tpu.memory_space<semaphore_mem>>) src(%dma_wait3A_156 : memref<8200xi32, #tpu.memory_space<hbm>>) dst(%dma_wait3A_155 : memref<8200xi32, #tpu.memory_space<vmem>>)
      %dma_wait3A_157 = arith.constant 0 : i32
      %dma_wait3A_158 = tpu.memref_slice %arg11[%dma_wait3A_157] : memref<8224xf32, #tpu.memory_space<vmem>> -> memref<8200xf32, #tpu.memory_space<vmem>>
      %dma_wait3A_159 = tpu.memref_slice %arg4[%multiple_of3A_102] : memref<8409088xf32, #tpu.memory_space<hbm>> -> memref<8200xf32, #tpu.memory_space<hbm>>
      %dma_wait3A_160 = arith.constant 0 : i32
      %dma_wait3A_161 = tpu.memref_slice %arg11[%dma_wait3A_160] : memref<8224xf32, #tpu.memory_space<vmem>> -> memref<8200xf32, #tpu.memory_space<vmem>>
      %dma_wait3A_162 = tpu.memref_slice %arg4[%multiple_of3A_102] : memref<8409088xf32, #tpu.memory_space<hbm>> -> memref<8200xf32, #tpu.memory_space<hbm>>
      tpu.wait_dma2 semaphore(%arg21 : memref<!tpu.dma_semaphore, #tpu.memory_space<semaphore_mem>>) src(%dma_wait3A_162 : memref<8200xf32, #tpu.memory_space<hbm>>) dst(%dma_wait3A_161 : memref<8200xf32, #tpu.memory_space<vmem>>)
      %shift_right_arithmetic3A_163 = arith.constant 4 : i32
      %shift_right_arithmetic3A_164 = arith.shrsi %sub3A, %shift_right_arithmetic3A_163 : i32
      %shift_left3A_165 = arith.constant 4 : i32
      %shift_left3A_166 = arith.shli %shift_right_arithmetic3A_164, %shift_left3A_165 : i32
      %add3A_167 = arith.constant 15 : i32
      %add3A_168 = arith.addi %sub3A, %add3A_167 : i32
      %shift_right_arithmetic3A_169 = arith.constant 4 : i32
      %shift_right_arithmetic3A_170 = arith.shrsi %add3A_168, %shift_right_arithmetic3A_169 : i32
      %shift_left3A_171 = arith.constant 4 : i32
      %shift_left3A_172 = arith.shli %shift_right_arithmetic3A_170, %shift_left3A_171 : i32
      %shift_right_arithmetic3A_173 = arith.constant 4 : i32
      %shift_right_arithmetic3A_174 = arith.shrsi %scan3A_119#0, %shift_right_arithmetic3A_173 : i32
      %shift_left3A_175 = arith.constant 4 : i32
      %shift_left3A_176 = arith.shli %shift_right_arithmetic3A_174, %shift_left3A_175 : i32
      %sub3A_177 = arith.subi %shift_left3A_176, %shift_left3A_172 : i32
      %max3A = arith.constant 0 : i32
      %max3A_178 = arith.maxsi %sub3A_177, %max3A : i32
      %shift_right_arithmetic3A_179 = arith.constant 4 : i32
      %shift_right_arithmetic3A_180 = arith.shrsi %max3A_178, %shift_right_arithmetic3A_179 : i32
      %mul3A_181 = arith.constant 4096 : i32
      %mul3A_182 = arith.muli %add3A_95, %mul3A_181 : i32
      %broadcast_in_dim3A_183 = vector.broadcast %mul3A_182 : i32 to vector<16xi32>
      %add3A_184 = vector.broadcast %shift_left3A_166 : i32 to vector<16xi32>
      %add3A_185 = arith.addi %add3A_184, %iota3A : vector<16xi32>
      %ge3A_186 = vector.broadcast %sub3A : i32 to vector<16xi32>
      %ge3A_187 = arith.cmpi sge, %add3A_185, %ge3A_186 : vector<16xi32>
      %min3A_188 = arith.minsi %shift_left3A_172, %scan3A_119#0 : i32
      %lt3A = vector.broadcast %min3A_188 : i32 to vector<16xi32>
      %lt3A_189 = arith.cmpi slt, %add3A_185, %lt3A : vector<16xi32>
      %and3A = arith.andi %ge3A_187, %lt3A_189 : vector<16xi1>
      %get3A = arith.index_cast %shift_left3A_166 : i32 to index
      %get3A_190 = tpu.vector_load %arg9[%get3A] {strides = array<i32>} : memref<8224xi32, #tpu.memory_space<vmem>>, vector<16xi32>,
      %get3A_191 = arith.index_cast %shift_left3A_166 : i32 to index
      %get3A_192 = tpu.vector_load %arg10[%get3A_191] {strides = array<i32>} : memref<8224xi32, #tpu.memory_space<vmem>>, vector<16xi32>,
      %get3A_193 = arith.index_cast %shift_left3A_166 : i32 to index
      %get3A_194 = tpu.vector_load %arg11[%get3A_193] {strides = array<i32>} : memref<8224xf32, #tpu.memory_space<vmem>>, vector<16xf32>,
      %shift_left3A_195 = arith.constant 12 : i32
      %shift_left3A_196 = vector.broadcast %shift_left3A_195 : i32 to vector<16xi32>
      %shift_left3A_197 = arith.shli %get3A_190, %shift_left3A_196 : vector<16xi32>
      %add3A_198 = arith.addi %shift_left3A_197, %get3A_192 : vector<16xi32>
      %sub3A_199 = arith.subi %add3A_198, %broadcast_in_dim3A_183 : vector<16xi32>
      tpu.vector_store_idx %arg15[%sub3A_199], %get3A_194 masked %and3A : memref<8192xf32, #tpu.memory_space<vmem>>[vector<16xi32>], vector<16xf32>, vector<16xi1>
      %parallel_loop3A_200 = arith.constant 0 : i32
      %parallel_loop3A_201 = arith.constant 1 : i32
      scf.for %parallel_loop3A_382 = %parallel_loop3A_200 to %shift_right_arithmetic3A_180 step %parallel_loop3A_201  : i32 {
        %parallel_loop3A_383 = arith.constant 16 : i32
        %parallel_loop3A_384 = arith.muli %parallel_loop3A_382, %parallel_loop3A_383 : i32
        %parallel_loop3A_385 = arith.addi %shift_left3A_172, %parallel_loop3A_384 : i32
        %parallel_loop3A_386 = arith.index_cast %parallel_loop3A_385 : i32 to index
        %parallel_loop3A_387 = tpu.vector_load %arg9[%parallel_loop3A_386] {strides = array<i32>} : memref<8224xi32, #tpu.memory_space<vmem>>, vector<16xi32>,
        %parallel_loop3A_388 = arith.index_cast %parallel_loop3A_385 : i32 to index
        %parallel_loop3A_389 = tpu.vector_load %arg10[%parallel_loop3A_388] {strides = array<i32>} : memref<8224xi32, #tpu.memory_space<vmem>>, vector<16xi32>,
        %parallel_loop3A_390 = arith.index_cast %parallel_loop3A_385 : i32 to index
        %parallel_loop3A_391 = tpu.vector_load %arg11[%parallel_loop3A_390] {strides = array<i32>} : memref<8224xf32, #tpu.memory_space<vmem>>, vector<16xf32>,
        %parallel_loop3A_392 = arith.constant 12 : i32
        %parallel_loop3A_393 = vector.broadcast %parallel_loop3A_392 : i32 to vector<16xi32>
        %parallel_loop3A_394 = arith.shli %parallel_loop3A_387, %parallel_loop3A_393 : vector<16xi32>
        %parallel_loop3A_395 = arith.addi %parallel_loop3A_394, %parallel_loop3A_389 : vector<16xi32>
        %parallel_loop3A_396 = arith.subi %parallel_loop3A_395, %broadcast_in_dim3A_183 : vector<16xi32>
        tpu.vector_store_idx %arg15[%parallel_loop3A_396], %parallel_loop3A_391 : memref<8192xf32, #tpu.memory_space<vmem>>[vector<16xi32>], vector<16xf32>,
      } {sc.loop_unroll_factor = 8 : i64, sc.parallel_access}
      %add3A_202 = vector.broadcast %shift_left3A_176 : i32 to vector<16xi32>
      %add3A_203 = arith.addi %add3A_202, %iota3A : vector<16xi32>
      %max3A_204 = arith.maxsi %shift_left3A_176, %sub3A : i32
      %ge3A_205 = vector.broadcast %max3A_204 : i32 to vector<16xi32>
      %ge3A_206 = arith.cmpi sge, %add3A_203, %ge3A_205 : vector<16xi32>
      %lt3A_207 = vector.broadcast %scan3A_119#0 : i32 to vector<16xi32>
      %lt3A_208 = arith.cmpi slt, %add3A_203, %lt3A_207 : vector<16xi32>
      %and3A_209 = arith.andi %ge3A_206, %lt3A_208 : vector<16xi1>
      %get3A_210 = arith.index_cast %shift_left3A_176 : i32 to index
      %get3A_211 = tpu.vector_load %arg9[%get3A_210] {strides = array<i32>} : memref<8224xi32, #tpu.memory_space<vmem>>, vector<16xi32>,
      %get3A_212 = arith.index_cast %shift_left3A_176 : i32 to index
      %get3A_213 = tpu.vector_load %arg10[%get3A_212] {strides = array<i32>} : memref<8224xi32, #tpu.memory_space<vmem>>, vector<16xi32>,
      %get3A_214 = arith.index_cast %shift_left3A_176 : i32 to index
      %get3A_215 = tpu.vector_load %arg11[%get3A_214] {strides = array<i32>} : memref<8224xf32, #tpu.memory_space<vmem>>, vector<16xf32>,
      %shift_left3A_216 = arith.constant 12 : i32
      %shift_left3A_217 = vector.broadcast %shift_left3A_216 : i32 to vector<16xi32>
      %shift_left3A_218 = arith.shli %get3A_211, %shift_left3A_217 : vector<16xi32>
      %add3A_219 = arith.addi %shift_left3A_218, %get3A_213 : vector<16xi32>
      %sub3A_220 = arith.subi %add3A_219, %broadcast_in_dim3A_183 : vector<16xi32>
      tpu.vector_store_idx %arg15[%sub3A_220], %get3A_215 masked %and3A_209 : memref<8192xf32, #tpu.memory_space<vmem>>[vector<16xi32>], vector<16xf32>, vector<16xi1>
      %broadcast_in_dim3A_221 = arith.constant 0 : i32
      %broadcast_in_dim3A_222 = vector.broadcast %broadcast_in_dim3A_221 : i32 to vector<16xi32>
      %add3A_223 = vector.broadcast %add3A_95 : i32 to vector<16xi32>
      %add3A_224 = arith.addi %broadcast_in_dim3A_222, %add3A_223 : vector<16xi32>
      tpu.vector_store_idx %arg15[%add3A_224], %broadcast_in_dim3A_22 masked %eq3A_24 : memref<8192xf32, #tpu.memory_space<vmem>>[vector<16xi32>], vector<16xf32>, vector<16xi1>
      %broadcast_in_dim3A_225 = arith.constant 4097 : i32
      %broadcast_in_dim3A_226 = vector.broadcast %broadcast_in_dim3A_225 : i32 to vector<16xi32>
      %add3A_227 = vector.broadcast %add3A_95 : i32 to vector<16xi32>
      %add3A_228 = arith.addi %broadcast_in_dim3A_226, %add3A_227 : vector<16xi32>
      tpu.vector_store_idx %arg15[%add3A_228], %broadcast_in_dim3A_22 masked %eq3A_24 : memref<8192xf32, #tpu.memory_space<vmem>>[vector<16xi32>], vector<16xf32>, vector<16xi1>
      %dma_start3A_229 = tpu.memref_slice %arg8[%mul3A_182] : memref<16777216xf32, #tpu.memory_space<hbm>> -> memref<8192xf32, #tpu.memory_space<hbm>>
      %dma_start3A_230 = tpu.memref_slice %arg8[%mul3A_182] : memref<16777216xf32, #tpu.memory_space<hbm>> -> memref<8192xf32, #tpu.memory_space<hbm>>
      tpu.enqueue_dma source(%arg15 : memref<8192xf32, #tpu.memory_space<vmem>>) target(%dma_start3A_230 : memref<8192xf32, #tpu.memory_space<hbm>>) target_semaphore(%arg23 : memref<!tpu.dma_semaphore, #tpu.memory_space<semaphore_mem>>)
      %mul3A_231 = arith.constant 2 : i32
      %mul3A_232 = arith.muli %scan3A_87, %mul3A_231 : i32
      %add3A_233 = arith.constant 1 : i32
      %add3A_234 = arith.addi %mul3A_232, %add3A_233 : i32
      %mul3A_235 = arith.constant 2 : i32
      %mul3A_236 = arith.muli %add3A_234, %mul3A_235 : i32
      %add3A_237 = arith.addi %mul3A_2, %mul3A_236 : i32
      %shift_right_arithmetic3A_238 = arith.constant 3 : i32
      %shift_right_arithmetic3A_239 = arith.shrsi %add3A_121, %shift_right_arithmetic3A_238 : i32
      %shift_left3A_240 = arith.constant 3 : i32
      %shift_left3A_241 = arith.shli %shift_right_arithmetic3A_239, %shift_left3A_240 : i32
      %min3A_242 = arith.constant 8400888 : i32
      %min3A_243 = arith.minsi %shift_left3A_241, %min3A_242 : i32
      %multiple_of3A_244 = tpu.assume_multiple %min3A_243, 8 : i32
      %sub3A_245 = arith.subi %add3A_121, %multiple_of3A_244 : i32
      %dma_wait3A_246 = arith.constant 0 : i32
      %dma_wait3A_247 = tpu.memref_slice %arg12[%dma_wait3A_246] : memref<8224xi32, #tpu.memory_space<vmem>> -> memref<8200xi32, #tpu.memory_space<vmem>>
      %dma_wait3A_248 = tpu.memref_slice %arg2[%multiple_of3A_244] : memref<8409088xi32, #tpu.memory_space<hbm>> -> memref<8200xi32, #tpu.memory_space<hbm>>
      %dma_wait3A_249 = arith.constant 0 : i32
      %dma_wait3A_250 = tpu.memref_slice %arg12[%dma_wait3A_249] : memref<8224xi32, #tpu.memory_space<vmem>> -> memref<8200xi32, #tpu.memory_space<vmem>>
      %dma_wait3A_251 = tpu.memref_slice %arg2[%multiple_of3A_244] : memref<8409088xi32, #tpu.memory_space<hbm>> -> memref<8200xi32, #tpu.memory_space<hbm>>
      tpu.wait_dma2 semaphore(%arg20 : memref<!tpu.dma_semaphore, #tpu.memory_space<semaphore_mem>>) src(%dma_wait3A_251 : memref<8200xi32, #tpu.memory_space<hbm>>) dst(%dma_wait3A_250 : memref<8200xi32, #tpu.memory_space<vmem>>)
      %sub3A_252 = arith.constant 8409088 : i32
      %sub3A_253 = arith.subi %sub3A_252, %multiple_of3A_244 : i32
      %min3A_254 = arith.constant 8208 : i32
      %min3A_255 = arith.minsi %min3A_254, %sub3A_253 : i32
      %add3A_256 = arith.constant 2 : i32
      %add3A_257 = arith.addi %add3A_237, %add3A_256 : i32
      %scan3A_258 = arith.constant 0 : i32
      %scan3A_259 = arith.constant 14 : i32
      %scan3A_260 = arith.addi %scan3A_258, %scan3A_259 : i32
      %scan3A_261 = arith.constant 1 : i32
      %scan3A_262:2 = scf.for %scan3A_382 = %scan3A_258 to %scan3A_260 step %scan3A_261 iter_args(%scan3A_383 = %sub3A_245, %scan3A_384 = %min3A_255) -> (i32, i32)  : i32 {
        %add3A_385 = arith.addi %scan3A_383, %scan3A_384 : i32
        %shift_right_arithmetic3A_386 = arith.constant 1 : i32
        %shift_right_arithmetic3A_387 = arith.shrsi %add3A_385, %shift_right_arithmetic3A_386 : i32
        %broadcast_in_dim3A_388 = vector.broadcast %shift_right_arithmetic3A_387 : i32 to vector<16xi32>
        %gather3A = tpu.vector_load_idx %arg12[%broadcast_in_dim3A_388] : memref<8224xi32, #tpu.memory_space<vmem>>[vector<16xi32>], vector<16xi32>,
        %reduce_max3A_389 = arith.constant true
        %reduce_max3A_390 = vector.broadcast %reduce_max3A_389 : i1 to vector<16xi1>
        %reduce_max3A_391 = arith.constant -2147483648 : i32
        %reduce_max3A_392 = vector.broadcast %reduce_max3A_391 : i32 to vector<16xi32>
        %reduce_max3A_393 = arith.xori %gather3A, %reduce_max3A_392 : vector<16xi32>
        %reduce_max3A_394 = tpu.scan <max>, %reduce_max3A_393 masked %reduce_max3A_390 : vector<16xi32>, vector<16xi1> -> vector<16xi32>
        %reduce_max3A_395 = arith.xori %reduce_max3A_394, %reduce_max3A_392 : vector<16xi32>
        %reduce_max3A_396 = vector.extract %reduce_max3A_395[15] : i32 from vector<16xi32>
        %ge3A_397 = arith.cmpi sge, %reduce_max3A_396, %add3A_257 : i32
        %lt3A_398 = arith.cmpi slt, %scan3A_383, %scan3A_384 : i32
        %add3A_399 = arith.constant 1 : i32
        %add3A_400 = arith.addi %shift_right_arithmetic3A_387, %add3A_399 : i32
        %select_n3A = arith.select %ge3A_397, %scan3A_383, %add3A_400 : i32
        %select_n3A_401 = arith.select %lt3A_398, %select_n3A, %scan3A_383 : i32
        %lt3A_402 = arith.cmpi slt, %scan3A_383, %scan3A_384 : i32
        %select_n3A_403 = arith.select %ge3A_397, %shift_right_arithmetic3A_387, %scan3A_384 : i32
        %select_n3A_404 = arith.select %lt3A_402, %select_n3A_403, %scan3A_384 : i32
        scf.yield %select_n3A_401, %select_n3A_404 : i32, i32
      }
      %scan3A_263 = arith.constant 14 : i32
      %add3A_264 = arith.addi %multiple_of3A_244, %scan3A_262#0 : i32
      %shift_right_arithmetic3A_265 = arith.constant 3 : i32
      %shift_right_arithmetic3A_266 = arith.shrsi %add3A_264, %shift_right_arithmetic3A_265 : i32
      %shift_left3A_267 = arith.constant 3 : i32
      %shift_left3A_268 = arith.shli %shift_right_arithmetic3A_266, %shift_left3A_267 : i32
      %min3A_269 = arith.constant 8400888 : i32
      %min3A_270 = arith.minsi %shift_left3A_268, %min3A_269 : i32
      %multiple_of3A_271 = tpu.assume_multiple %min3A_270, 8 : i32
      %dma_start3A_272 = arith.constant 0 : i32
      %dma_start3A_273 = tpu.memref_slice %arg9[%dma_start3A_272] : memref<8224xi32, #tpu.memory_space<vmem>> -> memref<8200xi32, #tpu.memory_space<vmem>>
      %dma_start3A_274 = tpu.memref_slice %arg2[%multiple_of3A_271] : memref<8409088xi32, #tpu.memory_space<hbm>> -> memref<8200xi32, #tpu.memory_space<hbm>>
      %dma_start3A_275 = arith.constant 0 : i32
      %dma_start3A_276 = tpu.memref_slice %arg9[%dma_start3A_275] : memref<8224xi32, #tpu.memory_space<vmem>> -> memref<8200xi32, #tpu.memory_space<vmem>>
      %dma_start3A_277 = tpu.memref_slice %arg2[%multiple_of3A_271] : memref<8409088xi32, #tpu.memory_space<hbm>> -> memref<8200xi32, #tpu.memory_space<hbm>>
      tpu.enqueue_dma source(%dma_start3A_277 : memref<8200xi32, #tpu.memory_space<hbm>>) target(%dma_start3A_276 : memref<8200xi32, #tpu.memory_space<vmem>>) target_semaphore(%arg19 : memref<!tpu.dma_semaphore, #tpu.memory_space<semaphore_mem>>)
      %dma_start3A_278 = arith.constant 0 : i32
      %dma_start3A_279 = tpu.memref_slice %arg10[%dma_start3A_278] : memref<8224xi32, #tpu.memory_space<vmem>> -> memref<8200xi32, #tpu.memory_space<vmem>>
      %dma_start3A_280 = tpu.memref_slice %arg3[%multiple_of3A_271] : memref<8409088xi32, #tpu.memory_space<hbm>> -> memref<8200xi32, #tpu.memory_space<hbm>>
      %dma_start3A_281 = arith.constant 0 : i32
      %dma_start3A_282 = tpu.memref_slice %arg10[%dma_start3A_281] : memref<8224xi32, #tpu.memory_space<vmem>> -> memref<8200xi32, #tpu.memory_space<vmem>>
      %dma_start3A_283 = tpu.memref_slice %arg3[%multiple_of3A_271] : memref<8409088xi32, #tpu.memory_space<hbm>> -> memref<8200xi32, #tpu.memory_space<hbm>>
      tpu.enqueue_dma source(%dma_start3A_283 : memref<8200xi32, #tpu.memory_space<hbm>>) target(%dma_start3A_282 : memref<8200xi32, #tpu.memory_space<vmem>>) target_semaphore(%arg21 : memref<!tpu.dma_semaphore, #tpu.memory_space<semaphore_mem>>)
      %dma_start3A_284 = arith.constant 0 : i32
      %dma_start3A_285 = tpu.memref_slice %arg11[%dma_start3A_284] : memref<8224xf32, #tpu.memory_space<vmem>> -> memref<8200xf32, #tpu.memory_space<vmem>>
      %dma_start3A_286 = tpu.memref_slice %arg4[%multiple_of3A_271] : memref<8409088xf32, #tpu.memory_space<hbm>> -> memref<8200xf32, #tpu.memory_space<hbm>>
      %dma_start3A_287 = arith.constant 0 : i32
      %dma_start3A_288 = tpu.memref_slice %arg11[%dma_start3A_287] : memref<8224xf32, #tpu.memory_space<vmem>> -> memref<8200xf32, #tpu.memory_space<vmem>>
      %dma_start3A_289 = tpu.memref_slice %arg4[%multiple_of3A_271] : memref<8409088xf32, #tpu.memory_space<hbm>> -> memref<8200xf32, #tpu.memory_space<hbm>>
      tpu.enqueue_dma source(%dma_start3A_289 : memref<8200xf32, #tpu.memory_space<hbm>>) target(%dma_start3A_288 : memref<8200xf32, #tpu.memory_space<vmem>>) target_semaphore(%arg21 : memref<!tpu.dma_semaphore, #tpu.memory_space<semaphore_mem>>)
      %ge3A_290 = arith.constant 1 : i32
      %ge3A_291 = arith.cmpi sge, %scan3A_87, %ge3A_290 : i32
      %convert_element_type3A_292 = arith.extui %ge3A_291 : i1 to i32
      %cond3A_293 = arith.constant 0 : i32
      %cond3A_294 = arith.cmpi ne, %convert_element_type3A_292, %cond3A_293 : i32
      scf.if %cond3A_294 {
        %mul3A_382 = arith.constant 4096 : i32
        %mul3A_383 = arith.muli %add3A_237, %mul3A_382 : i32
        %dma_wait3A_384 = tpu.memref_slice %arg8[%mul3A_383] : memref<16777216xf32, #tpu.memory_space<hbm>> -> memref<8192xf32, #tpu.memory_space<hbm>>
        %dma_wait3A_385 = tpu.memref_slice %arg8[%mul3A_383] : memref<16777216xf32, #tpu.memory_space<hbm>> -> memref<8192xf32, #tpu.memory_space<hbm>>
        tpu.wait_dma2 semaphore(%arg24 : memref<!tpu.dma_semaphore, #tpu.memory_space<semaphore_mem>>) src(%arg16 : memref<8192xf32, #tpu.memory_space<vmem>>) dst(%dma_wait3A_385 : memref<8192xf32, #tpu.memory_space<hbm>>)
      } else {
      }
      %parallel_loop3A_295 = arith.constant 0 : i32
      %parallel_loop3A_296 = arith.constant 64 : i32
      %parallel_loop3A_297 = arith.constant 1 : i32
      scf.for %parallel_loop3A_382 = %parallel_loop3A_295 to %parallel_loop3A_296 step %parallel_loop3A_297  : i32 {
        %parallel_loop3A_383 = arith.constant 128 : i32
        %parallel_loop3A_384 = arith.muli %parallel_loop3A_382, %parallel_loop3A_383 : i32
        %parallel_loop3A_385 = arith.constant 0 : i32
        %parallel_loop3A_386 = arith.addi %parallel_loop3A_384, %parallel_loop3A_385 : i32
        %parallel_loop3A_387 = arith.index_cast %parallel_loop3A_386 : i32 to index
        %parallel_loop3A_388 = tpu.vector_load %arg16[%parallel_loop3A_387] {strides = array<i32>} : memref<8192xf32, #tpu.memory_space<vmem>>, vector<16xf32>,
        tpu.vector_store %arg16[%parallel_loop3A_387], %broadcast_in_dim3A_20 {strides = array<i32>} : memref<8192xf32, #tpu.memory_space<vmem>>, vector<16xf32>,
        %parallel_loop3A_389 = arith.constant 16 : i32
        %parallel_loop3A_390 = arith.addi %parallel_loop3A_384, %parallel_loop3A_389 : i32
        %parallel_loop3A_391 = arith.index_cast %parallel_loop3A_390 : i32 to index
        %parallel_loop3A_392 = tpu.vector_load %arg16[%parallel_loop3A_391] {strides = array<i32>} : memref<8192xf32, #tpu.memory_space<vmem>>, vector<16xf32>,
        tpu.vector_store %arg16[%parallel_loop3A_391], %broadcast_in_dim3A_20 {strides = array<i32>} : memref<8192xf32, #tpu.memory_space<vmem>>, vector<16xf32>,
        %parallel_loop3A_393 = arith.constant 32 : i32
        %parallel_loop3A_394 = arith.addi %parallel_loop3A_384, %parallel_loop3A_393 : i32
        %parallel_loop3A_395 = arith.index_cast %parallel_loop3A_394 : i32 to index
        %parallel_loop3A_396 = tpu.vector_load %arg16[%parallel_loop3A_395] {strides = array<i32>} : memref<8192xf32, #tpu.memory_space<vmem>>, vector<16xf32>,
        tpu.vector_store %arg16[%parallel_loop3A_395], %broadcast_in_dim3A_20 {strides = array<i32>} : memref<8192xf32, #tpu.memory_space<vmem>>, vector<16xf32>,
        %parallel_loop3A_397 = arith.constant 48 : i32
        %parallel_loop3A_398 = arith.addi %parallel_loop3A_384, %parallel_loop3A_397 : i32
        %parallel_loop3A_399 = arith.index_cast %parallel_loop3A_398 : i32 to index
        %parallel_loop3A_400 = tpu.vector_load %arg16[%parallel_loop3A_399] {strides = array<i32>} : memref<8192xf32, #tpu.memory_space<vmem>>, vector<16xf32>,
        tpu.vector_store %arg16[%parallel_loop3A_399], %broadcast_in_dim3A_20 {strides = array<i32>} : memref<8192xf32, #tpu.memory_space<vmem>>, vector<16xf32>,
        %parallel_loop3A_401 = arith.constant 64 : i32
        %parallel_loop3A_402 = arith.addi %parallel_loop3A_384, %parallel_loop3A_401 : i32
        %parallel_loop3A_403 = arith.index_cast %parallel_loop3A_402 : i32 to index
        %parallel_loop3A_404 = tpu.vector_load %arg16[%parallel_loop3A_403] {strides = array<i32>} : memref<8192xf32, #tpu.memory_space<vmem>>, vector<16xf32>,
        tpu.vector_store %arg16[%parallel_loop3A_403], %broadcast_in_dim3A_20 {strides = array<i32>} : memref<8192xf32, #tpu.memory_space<vmem>>, vector<16xf32>,
        %parallel_loop3A_405 = arith.constant 80 : i32
        %parallel_loop3A_406 = arith.addi %parallel_loop3A_384, %parallel_loop3A_405 : i32
        %parallel_loop3A_407 = arith.index_cast %parallel_loop3A_406 : i32 to index
        %parallel_loop3A_408 = tpu.vector_load %arg16[%parallel_loop3A_407] {strides = array<i32>} : memref<8192xf32, #tpu.memory_space<vmem>>, vector<16xf32>,
        tpu.vector_store %arg16[%parallel_loop3A_407], %broadcast_in_dim3A_20 {strides = array<i32>} : memref<8192xf32, #tpu.memory_space<vmem>>, vector<16xf32>,
        %parallel_loop3A_409 = arith.constant 96 : i32
        %parallel_loop3A_410 = arith.addi %parallel_loop3A_384, %parallel_loop3A_409 : i32
        %parallel_loop3A_411 = arith.index_cast %parallel_loop3A_410 : i32 to index
        %parallel_loop3A_412 = tpu.vector_load %arg16[%parallel_loop3A_411] {strides = array<i32>} : memref<8192xf32, #tpu.memory_space<vmem>>, vector<16xf32>,
        tpu.vector_store %arg16[%parallel_loop3A_411], %broadcast_in_dim3A_20 {strides = array<i32>} : memref<8192xf32, #tpu.memory_space<vmem>>, vector<16xf32>,
        %parallel_loop3A_413 = arith.constant 112 : i32
        %parallel_loop3A_414 = arith.addi %parallel_loop3A_384, %parallel_loop3A_413 : i32
        %parallel_loop3A_415 = arith.index_cast %parallel_loop3A_414 : i32 to index
        %parallel_loop3A_416 = tpu.vector_load %arg16[%parallel_loop3A_415] {strides = array<i32>} : memref<8192xf32, #tpu.memory_space<vmem>>, vector<16xf32>,
        tpu.vector_store %arg16[%parallel_loop3A_415], %broadcast_in_dim3A_20 {strides = array<i32>} : memref<8192xf32, #tpu.memory_space<vmem>>, vector<16xf32>,
      } {sc.loop_unroll_factor = 2 : i64, sc.parallel_access}
      %dma_wait3A_298 = arith.constant 0 : i32
      %dma_wait3A_299 = tpu.memref_slice %arg13[%dma_wait3A_298] : memref<8224xi32, #tpu.memory_space<vmem>> -> memref<8200xi32, #tpu.memory_space<vmem>>
      %dma_wait3A_300 = tpu.memref_slice %arg3[%multiple_of3A_244] : memref<8409088xi32, #tpu.memory_space<hbm>> -> memref<8200xi32, #tpu.memory_space<hbm>>
      %dma_wait3A_301 = arith.constant 0 : i32
      %dma_wait3A_302 = tpu.memref_slice %arg13[%dma_wait3A_301] : memref<8224xi32, #tpu.memory_space<vmem>> -> memref<8200xi32, #tpu.memory_space<vmem>>
      %dma_wait3A_303 = tpu.memref_slice %arg3[%multiple_of3A_244] : memref<8409088xi32, #tpu.memory_space<hbm>> -> memref<8200xi32, #tpu.memory_space<hbm>>
      tpu.wait_dma2 semaphore(%arg22 : memref<!tpu.dma_semaphore, #tpu.memory_space<semaphore_mem>>) src(%dma_wait3A_303 : memref<8200xi32, #tpu.memory_space<hbm>>) dst(%dma_wait3A_302 : memref<8200xi32, #tpu.memory_space<vmem>>)
      %dma_wait3A_304 = arith.constant 0 : i32
      %dma_wait3A_305 = tpu.memref_slice %arg14[%dma_wait3A_304] : memref<8224xf32, #tpu.memory_space<vmem>> -> memref<8200xf32, #tpu.memory_space<vmem>>
      %dma_wait3A_306 = tpu.memref_slice %arg4[%multiple_of3A_244] : memref<8409088xf32, #tpu.memory_space<hbm>> -> memref<8200xf32, #tpu.memory_space<hbm>>
      %dma_wait3A_307 = arith.constant 0 : i32
      %dma_wait3A_308 = tpu.memref_slice %arg14[%dma_wait3A_307] : memref<8224xf32, #tpu.memory_space<vmem>> -> memref<8200xf32, #tpu.memory_space<vmem>>
      %dma_wait3A_309 = tpu.memref_slice %arg4[%multiple_of3A_244] : memref<8409088xf32, #tpu.memory_space<hbm>> -> memref<8200xf32, #tpu.memory_space<hbm>>
      tpu.wait_dma2 semaphore(%arg22 : memref<!tpu.dma_semaphore, #tpu.memory_space<semaphore_mem>>) src(%dma_wait3A_309 : memref<8200xf32, #tpu.memory_space<hbm>>) dst(%dma_wait3A_308 : memref<8200xf32, #tpu.memory_space<vmem>>)
      %shift_right_arithmetic3A_310 = arith.constant 4 : i32
      %shift_right_arithmetic3A_311 = arith.shrsi %sub3A_245, %shift_right_arithmetic3A_310 : i32
      %shift_left3A_312 = arith.constant 4 : i32
      %shift_left3A_313 = arith.shli %shift_right_arithmetic3A_311, %shift_left3A_312 : i32
      %add3A_314 = arith.constant 15 : i32
      %add3A_315 = arith.addi %sub3A_245, %add3A_314 : i32
      %shift_right_arithmetic3A_316 = arith.constant 4 : i32
      %shift_right_arithmetic3A_317 = arith.shrsi %add3A_315, %shift_right_arithmetic3A_316 : i32
      %shift_left3A_318 = arith.constant 4 : i32
      %shift_left3A_319 = arith.shli %shift_right_arithmetic3A_317, %shift_left3A_318 : i32
      %shift_right_arithmetic3A_320 = arith.constant 4 : i32
      %shift_right_arithmetic3A_321 = arith.shrsi %scan3A_262#0, %shift_right_arithmetic3A_320 : i32
      %shift_left3A_322 = arith.constant 4 : i32
      %shift_left3A_323 = arith.shli %shift_right_arithmetic3A_321, %shift_left3A_322 : i32
      %sub3A_324 = arith.subi %shift_left3A_323, %shift_left3A_319 : i32
      %max3A_325 = arith.constant 0 : i32
      %max3A_326 = arith.maxsi %sub3A_324, %max3A_325 : i32
      %shift_right_arithmetic3A_327 = arith.constant 4 : i32
      %shift_right_arithmetic3A_328 = arith.shrsi %max3A_326, %shift_right_arithmetic3A_327 : i32
      %mul3A_329 = arith.constant 4096 : i32
      %mul3A_330 = arith.muli %add3A_237, %mul3A_329 : i32
      %broadcast_in_dim3A_331 = vector.broadcast %mul3A_330 : i32 to vector<16xi32>
      %add3A_332 = vector.broadcast %shift_left3A_313 : i32 to vector<16xi32>
      %add3A_333 = arith.addi %add3A_332, %iota3A : vector<16xi32>
      %ge3A_334 = vector.broadcast %sub3A_245 : i32 to vector<16xi32>
      %ge3A_335 = arith.cmpi sge, %add3A_333, %ge3A_334 : vector<16xi32>
      %min3A_336 = arith.minsi %shift_left3A_319, %scan3A_262#0 : i32
      %lt3A_337 = vector.broadcast %min3A_336 : i32 to vector<16xi32>
      %lt3A_338 = arith.cmpi slt, %add3A_333, %lt3A_337 : vector<16xi32>
      %and3A_339 = arith.andi %ge3A_335, %lt3A_338 : vector<16xi1>
      %get3A_340 = arith.index_cast %shift_left3A_313 : i32 to index
      %get3A_341 = tpu.vector_load %arg12[%get3A_340] {strides = array<i32>} : memref<8224xi32, #tpu.memory_space<vmem>>, vector<16xi32>,
      %get3A_342 = arith.index_cast %shift_left3A_313 : i32 to index
      %get3A_343 = tpu.vector_load %arg13[%get3A_342] {strides = array<i32>} : memref<8224xi32, #tpu.memory_space<vmem>>, vector<16xi32>,
      %get3A_344 = arith.index_cast %shift_left3A_313 : i32 to index
      %get3A_345 = tpu.vector_load %arg14[%get3A_344] {strides = array<i32>} : memref<8224xf32, #tpu.memory_space<vmem>>, vector<16xf32>,
      %shift_left3A_346 = arith.constant 12 : i32
      %shift_left3A_347 = vector.broadcast %shift_left3A_346 : i32 to vector<16xi32>
      %shift_left3A_348 = arith.shli %get3A_341, %shift_left3A_347 : vector<16xi32>
      %add3A_349 = arith.addi %shift_left3A_348, %get3A_343 : vector<16xi32>
      %sub3A_350 = arith.subi %add3A_349, %broadcast_in_dim3A_331 : vector<16xi32>
      tpu.vector_store_idx %arg16[%sub3A_350], %get3A_345 masked %and3A_339 : memref<8192xf32, #tpu.memory_space<vmem>>[vector<16xi32>], vector<16xf32>, vector<16xi1>
      %parallel_loop3A_351 = arith.constant 0 : i32
      %parallel_loop3A_352 = arith.constant 1 : i32
      scf.for %parallel_loop3A_382 = %parallel_loop3A_351 to %shift_right_arithmetic3A_328 step %parallel_loop3A_352  : i32 {
        %parallel_loop3A_383 = arith.constant 16 : i32
        %parallel_loop3A_384 = arith.muli %parallel_loop3A_382, %parallel_loop3A_383 : i32
        %parallel_loop3A_385 = arith.addi %shift_left3A_319, %parallel_loop3A_384 : i32
        %parallel_loop3A_386 = arith.index_cast %parallel_loop3A_385 : i32 to index
        %parallel_loop3A_387 = tpu.vector_load %arg12[%parallel_loop3A_386] {strides = array<i32>} : memref<8224xi32, #tpu.memory_space<vmem>>, vector<16xi32>,
        %parallel_loop3A_388 = arith.index_cast %parallel_loop3A_385 : i32 to index
        %parallel_loop3A_389 = tpu.vector_load %arg13[%parallel_loop3A_388] {strides = array<i32>} : memref<8224xi32, #tpu.memory_space<vmem>>, vector<16xi32>,
        %parallel_loop3A_390 = arith.index_cast %parallel_loop3A_385 : i32 to index
        %parallel_loop3A_391 = tpu.vector_load %arg14[%parallel_loop3A_390] {strides = array<i32>} : memref<8224xf32, #tpu.memory_space<vmem>>, vector<16xf32>,
        %parallel_loop3A_392 = arith.constant 12 : i32
        %parallel_loop3A_393 = vector.broadcast %parallel_loop3A_392 : i32 to vector<16xi32>
        %parallel_loop3A_394 = arith.shli %parallel_loop3A_387, %parallel_loop3A_393 : vector<16xi32>
        %parallel_loop3A_395 = arith.addi %parallel_loop3A_394, %parallel_loop3A_389 : vector<16xi32>
        %parallel_loop3A_396 = arith.subi %parallel_loop3A_395, %broadcast_in_dim3A_331 : vector<16xi32>
        tpu.vector_store_idx %arg16[%parallel_loop3A_396], %parallel_loop3A_391 : memref<8192xf32, #tpu.memory_space<vmem>>[vector<16xi32>], vector<16xf32>,
      } {sc.loop_unroll_factor = 8 : i64, sc.parallel_access}
      %add3A_353 = vector.broadcast %shift_left3A_323 : i32 to vector<16xi32>
      %add3A_354 = arith.addi %add3A_353, %iota3A : vector<16xi32>
      %max3A_355 = arith.maxsi %shift_left3A_323, %sub3A_245 : i32
      %ge3A_356 = vector.broadcast %max3A_355 : i32 to vector<16xi32>
      %ge3A_357 = arith.cmpi sge, %add3A_354, %ge3A_356 : vector<16xi32>
      %lt3A_358 = vector.broadcast %scan3A_262#0 : i32 to vector<16xi32>
      %lt3A_359 = arith.cmpi slt, %add3A_354, %lt3A_358 : vector<16xi32>
      %and3A_360 = arith.andi %ge3A_357, %lt3A_359 : vector<16xi1>
      %get3A_361 = arith.index_cast %shift_left3A_323 : i32 to index
      %get3A_362 = tpu.vector_load %arg12[%get3A_361] {strides = array<i32>} : memref<8224xi32, #tpu.memory_space<vmem>>, vector<16xi32>,
      %get3A_363 = arith.index_cast %shift_left3A_323 : i32 to index
      %get3A_364 = tpu.vector_load %arg13[%get3A_363] {strides = array<i32>} : memref<8224xi32, #tpu.memory_space<vmem>>, vector<16xi32>,
      %get3A_365 = arith.index_cast %shift_left3A_323 : i32 to index
      %get3A_366 = tpu.vector_load %arg14[%get3A_365] {strides = array<i32>} : memref<8224xf32, #tpu.memory_space<vmem>>, vector<16xf32>,
      %shift_left3A_367 = arith.constant 12 : i32
      %shift_left3A_368 = vector.broadcast %shift_left3A_367 : i32 to vector<16xi32>
      %shift_left3A_369 = arith.shli %get3A_362, %shift_left3A_368 : vector<16xi32>
      %add3A_370 = arith.addi %shift_left3A_369, %get3A_364 : vector<16xi32>
      %sub3A_371 = arith.subi %add3A_370, %broadcast_in_dim3A_331 : vector<16xi32>
      tpu.vector_store_idx %arg16[%sub3A_371], %get3A_366 masked %and3A_360 : memref<8192xf32, #tpu.memory_space<vmem>>[vector<16xi32>], vector<16xf32>, vector<16xi1>
      %broadcast_in_dim3A_372 = arith.constant 0 : i32
      %broadcast_in_dim3A_373 = vector.broadcast %broadcast_in_dim3A_372 : i32 to vector<16xi32>
      %add3A_374 = vector.broadcast %add3A_237 : i32 to vector<16xi32>
      %add3A_375 = arith.addi %broadcast_in_dim3A_373, %add3A_374 : vector<16xi32>
      tpu.vector_store_idx %arg16[%add3A_375], %broadcast_in_dim3A_22 masked %eq3A_24 : memref<8192xf32, #tpu.memory_space<vmem>>[vector<16xi32>], vector<16xf32>, vector<16xi1>
      %broadcast_in_dim3A_376 = arith.constant 4097 : i32
      %broadcast_in_dim3A_377 = vector.broadcast %broadcast_in_dim3A_376 : i32 to vector<16xi32>
      %add3A_378 = vector.broadcast %add3A_237 : i32 to vector<16xi32>
      %add3A_379 = arith.addi %broadcast_in_dim3A_377, %add3A_378 : vector<16xi32>
      tpu.vector_store_idx %arg16[%add3A_379], %broadcast_in_dim3A_22 masked %eq3A_24 : memref<8192xf32, #tpu.memory_space<vmem>>[vector<16xi32>], vector<16xf32>, vector<16xi1>
      %dma_start3A_380 = tpu.memref_slice %arg8[%mul3A_330] : memref<16777216xf32, #tpu.memory_space<hbm>> -> memref<8192xf32, #tpu.memory_space<hbm>>
      %dma_start3A_381 = tpu.memref_slice %arg8[%mul3A_330] : memref<16777216xf32, #tpu.memory_space<hbm>> -> memref<8192xf32, #tpu.memory_space<hbm>>
      tpu.enqueue_dma source(%arg16 : memref<8192xf32, #tpu.memory_space<vmem>>) target(%dma_start3A_381 : memref<8192xf32, #tpu.memory_space<hbm>>) target_semaphore(%arg24 : memref<!tpu.dma_semaphore, #tpu.memory_space<semaphore_mem>>)
      scf.yield %add3A_264 : i32
    }
    %scan3A_50 = arith.constant 32 : i32
    %add3A_51 = arith.constant 124 : i32
    %add3A_52 = arith.addi %mul3A_2, %add3A_51 : i32
    %mul3A_53 = arith.constant 4096 : i32
    %mul3A_54 = arith.muli %add3A_52, %mul3A_53 : i32
    %dma_wait3A = tpu.memref_slice %arg8[%mul3A_54] : memref<16777216xf32, #tpu.memory_space<hbm>> -> memref<8192xf32, #tpu.memory_space<hbm>>
    %dma_wait3A_55 = tpu.memref_slice %arg8[%mul3A_54] : memref<16777216xf32, #tpu.memory_space<hbm>> -> memref<8192xf32, #tpu.memory_space<hbm>>
    tpu.wait_dma2 semaphore(%arg23 : memref<!tpu.dma_semaphore, #tpu.memory_space<semaphore_mem>>) src(%arg15 : memref<8192xf32, #tpu.memory_space<vmem>>) dst(%dma_wait3A_55 : memref<8192xf32, #tpu.memory_space<hbm>>)
    %add3A_56 = arith.constant 126 : i32
    %add3A_57 = arith.addi %mul3A_2, %add3A_56 : i32
    %mul3A_58 = arith.constant 4096 : i32
    %mul3A_59 = arith.muli %add3A_57, %mul3A_58 : i32
    %dma_wait3A_60 = tpu.memref_slice %arg8[%mul3A_59] : memref<16777216xf32, #tpu.memory_space<hbm>> -> memref<8192xf32, #tpu.memory_space<hbm>>
    %dma_wait3A_61 = tpu.memref_slice %arg8[%mul3A_59] : memref<16777216xf32, #tpu.memory_space<hbm>> -> memref<8192xf32, #tpu.memory_space<hbm>>
    tpu.wait_dma2 semaphore(%arg24 : memref<!tpu.dma_semaphore, #tpu.memory_space<semaphore_mem>>) src(%arg16 : memref<8192xf32, #tpu.memory_space<vmem>>) dst(%dma_wait3A_61 : memref<8192xf32, #tpu.memory_space<hbm>>)
    %shift_right_arithmetic3A_62 = arith.constant 3 : i32
    %shift_right_arithmetic3A_63 = arith.shrsi %scan3A_49, %shift_right_arithmetic3A_62 : i32
    %shift_left3A_64 = arith.constant 3 : i32
    %shift_left3A_65 = arith.shli %shift_right_arithmetic3A_63, %shift_left3A_64 : i32
    %min3A_66 = arith.constant 8400888 : i32
    %min3A_67 = arith.minsi %shift_left3A_65, %min3A_66 : i32
    %multiple_of3A_68 = tpu.assume_multiple %min3A_67, 8 : i32
    %dma_wait3A_69 = arith.constant 0 : i32
    %dma_wait3A_70 = tpu.memref_slice %arg9[%dma_wait3A_69] : memref<8224xi32, #tpu.memory_space<vmem>> -> memref<8200xi32, #tpu.memory_space<vmem>>
    %dma_wait3A_71 = tpu.memref_slice %arg2[%multiple_of3A_68] : memref<8409088xi32, #tpu.memory_space<hbm>> -> memref<8200xi32, #tpu.memory_space<hbm>>
    %dma_wait3A_72 = arith.constant 0 : i32
    %dma_wait3A_73 = tpu.memref_slice %arg9[%dma_wait3A_72] : memref<8224xi32, #tpu.memory_space<vmem>> -> memref<8200xi32, #tpu.memory_space<vmem>>
    %dma_wait3A_74 = tpu.memref_slice %arg2[%multiple_of3A_68] : memref<8409088xi32, #tpu.memory_space<hbm>> -> memref<8200xi32, #tpu.memory_space<hbm>>
    tpu.wait_dma2 semaphore(%arg19 : memref<!tpu.dma_semaphore, #tpu.memory_space<semaphore_mem>>) src(%dma_wait3A_74 : memref<8200xi32, #tpu.memory_space<hbm>>) dst(%dma_wait3A_73 : memref<8200xi32, #tpu.memory_space<vmem>>)
    %dma_wait3A_75 = arith.constant 0 : i32
    %dma_wait3A_76 = tpu.memref_slice %arg10[%dma_wait3A_75] : memref<8224xi32, #tpu.memory_space<vmem>> -> memref<8200xi32, #tpu.memory_space<vmem>>
    %dma_wait3A_77 = tpu.memref_slice %arg3[%multiple_of3A_68] : memref<8409088xi32, #tpu.memory_space<hbm>> -> memref<8200xi32, #tpu.memory_space<hbm>>
    %dma_wait3A_78 = arith.constant 0 : i32
    %dma_wait3A_79 = tpu.memref_slice %arg10[%dma_wait3A_78] : memref<8224xi32, #tpu.memory_space<vmem>> -> memref<8200xi32, #tpu.memory_space<vmem>>
    %dma_wait3A_80 = tpu.memref_slice %arg3[%multiple_of3A_68] : memref<8409088xi32, #tpu.memory_space<hbm>> -> memref<8200xi32, #tpu.memory_space<hbm>>
    tpu.wait_dma2 semaphore(%arg21 : memref<!tpu.dma_semaphore, #tpu.memory_space<semaphore_mem>>) src(%dma_wait3A_80 : memref<8200xi32, #tpu.memory_space<hbm>>) dst(%dma_wait3A_79 : memref<8200xi32, #tpu.memory_space<vmem>>)
    %dma_wait3A_81 = arith.constant 0 : i32
    %dma_wait3A_82 = tpu.memref_slice %arg11[%dma_wait3A_81] : memref<8224xf32, #tpu.memory_space<vmem>> -> memref<8200xf32, #tpu.memory_space<vmem>>
    %dma_wait3A_83 = tpu.memref_slice %arg4[%multiple_of3A_68] : memref<8409088xf32, #tpu.memory_space<hbm>> -> memref<8200xf32, #tpu.memory_space<hbm>>
    %dma_wait3A_84 = arith.constant 0 : i32
    %dma_wait3A_85 = tpu.memref_slice %arg11[%dma_wait3A_84] : memref<8224xf32, #tpu.memory_space<vmem>> -> memref<8200xf32, #tpu.memory_space<vmem>>
    %dma_wait3A_86 = tpu.memref_slice %arg4[%multiple_of3A_68] : memref<8409088xf32, #tpu.memory_space<hbm>> -> memref<8200xf32, #tpu.memory_space<hbm>>
    tpu.wait_dma2 semaphore(%arg21 : memref<!tpu.dma_semaphore, #tpu.memory_space<semaphore_mem>>) src(%dma_wait3A_86 : memref<8200xf32, #tpu.memory_space<hbm>>) dst(%dma_wait3A_85 : memref<8200xf32, #tpu.memory_space<vmem>>)
    return
  }
}

</mosaic_0001>

<sc_bundles>
// kernel: kernel.3.cloned.1.call-start
scs
__scs_entry_jumppad:
0x0: {  	(pc) =	sbr.rel $0x88, $3  }
0x1: {  	(tag) =	ssettag $0x0;
	lr =	simm.s32 $0x1  }
0x2: {  	[smem:$0x3F9E] =	sst lr;
	_ =	strace $0xD0000000  }
0x3: {  	_ = 	snop  }
0x4: {  	_ = 	snop  }
0x5: {  	_ = 	snop  }
0x6: {  	_ = 	snop  }
0x7: {  	_ = 	snop  }
__scs_overlays_trampoline_lowered:
0x8: {  	[smem:$0x3FAD] =	sst s0  }
0x9: {  	[smem:$0x3FAE] =	sst s1  }
0xa: {  	[smem:$0x3FAF] =	sst s2  }
0xb: {  	[smem:$0x3FB0] =	sst s3  }
0xc: {  	[smem:$0x3FB1] =	sst s4  }
0xd: {  	[smem:$0x3FB2] =	sst s5  }
0xe: {  	[smem:$0x3FB3] =	sst s6  }
0xf: {  	[smem:$0x3FB4] =	sst s7  }
0x10: {  	[smem:$0x3FB5] =	sst s8  }
0x11: {  	[smem:$0x3FB6] =	sst s9;
	s0 =	simm.s32 @!p0 $0x0  }
0x12: {  	s1 =	sld [smem:$0x3F9C];
	s0 =	simm.s32 @p0 $0x1  }
0x13: {  	[smem:$0x3FB7] =	sst s0;
	s0 =	simm.s32 @!p1 $0x0  }
0x14: {  	s2 =	sld [smem:$0x3F9B];
	s0 =	simm.s32 @p1 $0x1  }
0x15: {  	[smem:$0x3FB8] =	sst s0;
	s0 =	simm.s32 @!p2 $0x0  }
0x16: {  	s3 =	sld [smem:$0x3FDB];
	s0 =	simm.s32 @p2 $0x1  }
0x17: {  	s4 =	simm.s32 $0x1BF5;
	[smem:$0x3FBA] =	sst s0  }
0x18: {  	s0 =	sld [smem:$0x3F9D];
	_ =	swait.ge [sflag:s4], $0x0  }
0x19: {  	s7 =	sld [smem:$0x3F9E]  }
0x1a: {  	s8 =	sadd.s32 $0xFFFFE003, lr  }
0x1b: {  	s9 =	sadd.s32 $0xFFFFFEF7, lr;
	s5 =	simm.s32 $0xFFFFFFFF;
	p2 =	slt.u32 s8, $0xFFFFF086  }
0x1c: {  	p1 =	slt.u32 s9, $0xF7A;
	s5 =	simm.s32 @!p2 $0x0  }
0x1d: {  	s5 =	simm.s32 @p1 $0x1;
	p0 =	seq.s32 s7, s2  }
0x1e: {  	s7 =	smul.u32 @!p0 $0xF7A, s2;
	p2 =	seq.s32 @!p0 s5, $0x0  }
0x1f: {  	s9 =	smul.u32 $0xF7A, s1;
	s8 =	simm.s32 @!p0 $0x1BF5;
	p2 =	por !p2, p0  }
0x20: {  	[sflag:s8] =	ssyncset.s32 @!p0 $0xFFFFF086;
	s6 =	sadd.s32 @!p0 s3, s7;
	s7 =	simm.s32 @!p0 $0x108  }
0x21: {  	s3 =	sadd.s32 s3, s9;
	s6 =	sadd.s32 @!p0 $0x88, s6;
	s7 =	simm.s32 @p2 $0x1082  }
0x22: {  	[simem:s7], [sflag:s8] =	dma.local @!p0 [hbm:s6], $0xF7A  }
0x23: {  	s9 =	sor.u32 $0xD0000000, s2;
	s6 =	simm.s32 $0x108;
	_ =	swait.ge @!p0 [sflag:s8], $0x0  }
0x24: {  	s3 =	sadd.s32 $0x88, s3;
	s6 =	simm.s32 @!p1 $0x1082;
	[sflag:s4] =	ssyncset.s32 $0xFFFFF086  }
0x25: {  	[simem:s6], [sflag:s4] =	dma.local [hbm:s3], $0xF7A  }
0x26: {  	[smem:$0x3F9E] =	sst s1;
	(tag) =	ssettag s2;
	_ =	strace s9  }
0x27: {  	s1 =	sld [smem:$0x3FAE]  }
0x28: {  	s2 =	sld [smem:$0x3FAF]  }
0x29: {  	s4 =	sld [smem:$0x3FB1]  }
0x2a: {  	p0 =	seq.s32 s5, $0x0;
	s5 =	sld [smem:$0x3FB2]  }
0x2b: {  	s6 =	sld [smem:$0x3FB3]  }
0x2c: {  	s7 =	sld [smem:$0x3FB4]  }
0x2d: {  	s3 =	simm.s32 $0x108;
	s8 =	sld [smem:$0x3FB5]  }
0x2e: {  	s3 =	simm.s32 @!p0 $0x1082;
	s9 =	sld [smem:$0x3FB6]  }
0x2f: {  	lr =	sadd.s32 s0, s3;
	s0 =	sld [smem:$0x3FAD]  }
0x30: {  	s3 =	sld [smem:$0x3FB0]  }
0x31: {  	[smem:$0x3FB9] =	sst s10  }
0x32: {  	s10 =	sld [smem:$0x3FB7];
	_ =	sdelay $0x3  }
0x33: {  	p0 =	seq.s32 s10, $0x1;
	s10 =	sld [smem:$0x3FB9];
	_ =	sdelay $0x3  }
0x34: {  	[smem:$0x3FB9] =	sst s10  }
0x35: {  	s10 =	sld [smem:$0x3FB8];
	_ =	sdelay $0x3  }
0x36: {  	p1 =	seq.s32 s10, $0x1;
	s10 =	sld [smem:$0x3FB9];
	_ =	sdelay $0x3  }
0x37: {  	[smem:$0x3FB9] =	sst s10  }
0x38: {  	s10 =	sld [smem:$0x3FBA]  }
0x39: {  	_ = 	snop;
	(pc) =	sbr.ind lr, $3  }
0x3a: {  	_ = 	snop  }
0x3b: {  	_ = 	snop  }
0x3c: {  	p2 =	seq.s32 s10, $0x1;
	s10 =	sld [smem:$0x3FB9]  }
0x3d: {  	_ =	shalt  }
0x3e: {  	_ =	shalt  }
0x3f: {  	_ =	shalt  }
0x40: {  	_ =	shalt  }
0x41: {  	_ =	shalt  }
0x42: {  	_ =	shalt  }
0x43: {  	_ =	shalt  }
0x44: {  	_ =	shalt  }
0x45: {  	_ =	shalt  }
0x46: {  	_ =	shalt  }
0x47: {  	_ =	shalt  }
0x48: {  	_ =	shalt  }
0x49: {  	_ =	shalt  }
0x4a: {  	_ =	shalt  }
0x4b: {  	_ =	shalt  }
0x4c: {  	_ =	shalt  }
0x4d: {  	_ =	shalt  }
0x4e: {  	_ =	shalt  }
0x4f: {  	_ =	shalt  }
0x50: {  	_ =	shalt  }
0x51: {  	_ =	shalt  }
0x52: {  	_ =	shalt  }
0x53: {  	_ =	shalt  }
0x54: {  	_ =	shalt  }
0x55: {  	_ =	shalt  }
0x56: {  	_ =	shalt  }
0x57: {  	_ =	shalt  }
0x58: {  	_ =	shalt  }
0x59: {  	_ =	shalt  }
0x5a: {  	_ =	shalt  }
0x5b: {  	_ =	shalt  }
0x5c: {  	_ =	shalt  }
0x5d: {  	_ =	shalt  }
0x5e: {  	_ =	shalt  }
0x5f: {  	_ =	shalt  }
0x60: {  	_ =	shalt  }
0x61: {  	_ =	shalt  }
0x62: {  	_ =	shalt  }
0x63: {  	_ =	shalt  }
0x64: {  	_ =	shalt  }
0x65: {  	_ =	shalt  }
0x66: {  	_ =	shalt  }
0x67: {  	_ =	shalt  }
0x68: {  	_ =	shalt  }
0x69: {  	_ =	shalt  }
0x6a: {  	_ =	shalt  }
0x6b: {  	_ =	shalt  }
0x6c: {  	_ =	shalt  }
0x6d: {  	_ =	shalt  }
0x6e: {  	_ =	shalt  }
0x6f: {  	_ =	shalt  }
0x70: {  	_ =	shalt  }
0x71: {  	_ =	shalt  }
0x72: {  	_ =	shalt  }
0x73: {  	_ =	shalt  }
0x74: {  	_ =	shalt  }
0x75: {  	_ =	shalt  }
0x76: {  	_ =	shalt  }
0x77: {  	_ =	shalt  }
0x78: {  	_ =	shalt  }
0x79: {  	_ =	shalt  }
0x7a: {  	_ =	shalt  }
0x7b: {  	_ =	shalt  }
0x7c: {  	_ =	shalt  }
0x7d: {  	_ =	shalt  }
0x7e: {  	_ =	shalt  }
0x7f: {  	_ =	shalt  }
0x80: {  	_ =	shalt  }
0x81: {  	_ =	shalt  }
0x82: {  	_ =	shalt  }
0x83: {  	_ =	shalt  }
0x84: {  	_ =	shalt  }
0x85: {  	_ =	shalt  }
0x86: {  	_ =	shalt  }
0x87: {  	_ =	shalt  }
.Lfunc_end0:
.L_simem_size_0:
called_computation_lowered:
.L_overlay_start_0:
0x88: {  	s2 =	sld [smem:$0x3FD9]  }
0x89: {  	s3 =	sld [smem:$0x3FFE];
	_ =	sdelay $0x1  }
0x8a: {  	s1 =	srdreg.scid  }
0x8b: {  	s0 =	sand.u32 $0x1, s1  }
0x8c: {  	s17 =	sshll.u32 s0, $0xA;
	s2 =	sadd.s32 s3, s2  }
0x8d: {  	s2 =	sadd.s32 s2, s17  }
0x8e: {  	[smem:$0x3FC5] =	sst s2  }
0x8f: {  	_ = 	snop  }
0x90: {  	s2 =	sld [smem:$0x3FC9]  }
0x91: {  	s18 =	sld [smem:$0x3FC8]  }
0x92: {  	s4 =	sld [smem:$0x3FC7]  }
0x93: {  	s5 =	sld [smem:$0x3FD0];
	(tm) =	ssettm $0x1  }
0x94: {  	s6 =	sld [smem:$0x3FFB];
	_ =	sdelay $0x3  }
0x95: {  	_ =	strace s6  }
0x96: {  	s6 =	sld [smem:$0x3FFC];
	_ =	sdelay $0x3  }
0x97: {  	_ =	strace s6  }
0x98: {  	s6 =	sld [smem:$0x3FFD];
	_ =	sdelay $0x3  }
0x99: {  	_ =	strace s6  }
0x9a: {  	_ =	strace $0x8FFFFFFF  }
0x9b: {  	s19 =	sld [smem:$0x3FDB];
	_ =	sdelay $0x1  }
0x9c: {  	s7 =	simm.s32 $_scs_section_size  }
0x9d: {  	s8 =	simm.s32 $_size__tile_overlayer_lowered;
	s9 =	simm.s32 $_tile_overlayer_lowered  }
0x9e: {  	s22 =	simm.s32 $0x1BFF;
	s21 =	sshll.u32 s9, $0x1;
	s6 =	sadd.s32 s7, s19  }
0x9f: {  	s10 =	simm.s32 $0x0;
	s20 =	sshll.u32 s8, $0x1;
	s8 =	sadd.s32 s21, s6  }
0xa0: {  	[timem:s10], [sflag:s22] =	dma.local [hbm:s8], s20  }
0xa1: {  	_ =	swait.ge [sflag:s22], s20  }
0xa2: {  	s7 =	ssub.s32 $0x0, s20;
	[sflag:s22] =	ssyncset.done $0x0  }
0xa3: {  	[sflag:s22] =	ssyncadd.s32 s7;
	_ =	sdelay $0x1  }
0xa4: {  	s23 =	simm.s32 $0x1B8B  }
0xa5: {  	_ =	swait.ge [sflag:s23], $0x1  }
0xa6: {  	[sflag:s23] =	ssyncset.done $0x0  }
0xa7: {  	s25 =	simm.s32 $0x1B8E;
	s24 =	sld [smem:$0x3FFE];
	[sflag:s23] =	ssyncadd.s32 $0xFFFFFFFF  }
0xa8: {  	s26 =	simm.s32 $execute0_lowered;
	[smem:$0x3FD2] =	sst s25  }
0xa9: {  	s8 =	sshll.u32 s26, $0x1;
	_ =	strace $0x80000046;
	[dreg:$0x1] =	wrdreg $0xFFFFFFFF  }
0xaa: {  	s28 =	simm.s32 $_size_execute0_lowered;
	s6 =	sadd.s32 s6, s8;
	[dreg:$0x0] =	wrdreg $0x0  }
0xab: {  	s8 =	sshll.u32 s28, $0x1;
	[dreg:$0x2] =	wrdreg s6  }
0xac: {  	[dreg:$0x3] =	wrdreg s8  }
0xad: {  	[dreg:$0x4] =	wrdreg $0xC0  }
0xae: {  	_ =	task [dreg:s10], $0x5FFFF  }
0xaf: {  	[dreg:$0x1] =	wrdreg $0xFFFFFFFF  }
0xb0: {  	[dreg:$0x0] =	wrdreg $0x60  }
0xb1: {  	[dreg:$0x2] =	wrdreg s2  }
0xb2: {  	[dreg:$0x3] =	wrdreg s18  }
0xb3: {  	[dreg:$0x4] =	wrdreg s4  }
0xb4: {  	[dreg:$0x5] =	wrdreg s5  }
0xb5: {  	[dreg:$0x6] =	wrdreg s24  }
0xb6: {  	[dreg:$0x7] =	wrdreg $0x9  }
0xb7: {  	_ =	task.clear_ibuf [dreg:s10], $0x8FFFF;
	_ =	strace $0x90000046  }
0xb8: {  	s29 =	simm.s32 $0x9;
	_ =	strace $0x80000048  }
0xb9: {  	_ =	swait.ge [sflag:s29], $0x1  }
0xba: {  	[sflag:s29] =	ssyncadd.s32 $0xFFFFFFFF  }
0xbb: {  	_ =	strace $0x90000048  }
0xbc: {  	_ =	sfence  }
0xbd: {  	s30 =	sld [smem:$0x0];
	_ =	sdelay $0x2  }
0xbe: {  	s31 =	sshll.u32 s1, $0xD;
	s1 =	sshrl.u32 s1, $0x2  }
0xbf: {  	s3 =	sand.u32 $0x4000, s31;
	s1 =	sadd.s32 s1, s30  }
0xc0: {  	s0 =	sor.u32 s3, s0;
	s1 =	sshll.u32 s1, $0x11  }
0xc1: {  	s0 =	sor.u32 s1, s0  }
0xc2: {  	s0 =	sadd.s32 $0x8F2B, s0  }
0xc3: {  	[sflag:s0] =	ssyncadd.remote.s32 $0x1  }
0xc4: {  	_ =	sfence.sel $0xFFFF  }
0xc5: {  	[dreg:$0x0] =	wrdreg $0xFFFFFFFF;
	(pc) =	sbr.abs _section_cstart, $3  }
0xc6: {  	[dreg:$0x1] =	wrdreg $0xFFFFFFFF  }
0xc7: {  	_ =	task.clear_ibuf [dreg:s10], $0x2FFFF;
	_ =	strace $0x9FFFFFFF  }
0xc8: {  	(tm) =	ssettm $0x7FFFFFFF  }
0xc9: {  	_ =	shalt  }
tec
execute0_lowered:
.L_overlay_start_1:
0x0: {  	(tag) =	ssettag $0x1  }
0x1: {  	s1 =	rddreg [dreg:$0x0]  }
0x2: {  	s30 =	rddreg [dreg:$0x1]  }
0x3: {  	s0 =	rddreg [dreg:$0x4];
	s5 =	simm.s32 $0x0;
	s2 =	srdreg.scid  }
0x4: {  	s6 =	stileid.u32;
	s18 =	simm.s32 $0x10300;
	s19 =	simm.s32 $0x1  }
0x5: {  	s23 =	simm.s32 $0x6180;
	[smem:$0x7FF] =	sst s5;
	s2 =	sand.u32 $0x1, s2  }
0x6: {  	s3 =	sadd.s32 $0x400, s0;
	s6 =	sshll.u32 s6, $0x8;
	s0 =	sadd.s32 $0x600, s0  }
.Ltmp0:
0x7: {  	_ =	strace $0x80000047;
	s26 =	ssub.s32 $0x2, s2;
	(pc) =	sbr.rel .LBB2_1-.Ltmp0, $4  }
0x8: {  	[dreg:$0x6] =	wrdreg s3;
	s2 =	sshll.u32 s2, $0x7;
	s4 =	sshrl.u32 s26, $0x1  }
0x9: {  	[dreg:$0x7] =	wrdreg s0;
	s2 =	sor.u32 s2, s6;
	s29 =	ssub.s32 s26, s4  }
0xa: {  	s28 =	simm.s32 $0xC300;
	v1 =	vlaneseq.u32;
	vm0 =	vmmov $0xffff;
	[dreg:$0x8] =	wrdreg s2;
	s0 =	smax.u32 s29, $0x1  }
0xb: {  	s31 =	simm.s32 $0xE300;
	v2 =	vimm.f32 $-Inf;
	v3 =	vimm.f32 $1.000000000e+00;
	s3 =	simm.s32 $0x0;
	v0 =	vmov s2;
	[dreg:$0x9] =	wrdreg s0  }
.LBB2_27:
0xc: {  	s0 =	simm.s32 $0x6  }
0xd: {  	_ =	swait.ge [sflag:s0], $0x2000  }
0xe: {  	[sflag:s0] =	ssyncset.done $0x0  }
0xf: {  	s25 =	simm.s32 $0x7;
	[sflag:s0] =	ssyncadd.s32 $0xFFFFE000  }
0x10: {  	_ =	swait.ge [sflag:s25], $0x2000  }
0x11: {  	[sflag:s25] =	ssyncset.done $0x0  }
0x12: {  	s26 =	simm.s32 $0x2;
	[sflag:s25] =	ssyncadd.s32 $0xFFFFE000  }
0x13: {  	_ =	swait.ge [sflag:s26], $0x2008  }
0x14: {  	[sflag:s26] =	ssyncset.done $0x0  }
0x15: {  	s2 =	simm.s32 $0x4;
	[sflag:s26] =	ssyncadd.s32 $0xFFFFDFF8  }
0x16: {  	_ =	swait.ge [sflag:s2], $0x2008  }
0x17: {  	[sflag:s2] =	ssyncset.done $0x0  }
0x18: {  	[sflag:s2] =	ssyncadd.s32 $0xFFFFDFF8  }
0x19: {  	_ =	swait.ge [sflag:s2], $0x2008  }
0x1a: {  	s3 =	rddreg [dreg:$0xa]  }
0x1b: {  	s29 =	rddreg [dreg:$0x9];
	s3 =	sadd.s32 $0x1, s3  }
0x1c: {  	p0 =	sne.s32 s3, s29  }
.Ltmp1:
0x1d: {  	_ = 	snop;
	(pc) =	sbr.rel @!p0 .LBB2_28-.Ltmp1, $3  }
0x1e: {  	_ =	sdelay $0x1  }
0x1f: {  	[sflag:s2] =	ssyncset.done $0x0  }
0x20: {  	[sflag:s2] =	ssyncadd.s32 $0xFFFFDFF8  }
.LBB2_1:
0x21: {  	[dreg:$0xa] =	wrdreg s3  }
0x22: {  	s0 =	rddreg [dreg:$0x3];
	s2 =	simm.s32 $0x2008;
	s21 =	simm.s32 $0x8  }
0x23: {  	[tilespmem:s2], [sflag:$0x8] =	stream.linear.gather [hbm4b:s0+s5], $0x8, $0x38;
	[tilespmem:$0x10380] =	vst v63  }
0x24: {  	_ =	swait.ge [sflag:s21], $0x8  }
0x25: {  	[sflag:s21] =	ssyncset.done $0x0  }
0x26: {  	s22 =	simm.s32 $0x4088;
	[sflag:s21] =	ssyncadd.s32 $0xFFFFFFF8  }
0x27: {  	[tilespmem:s22], [sflag:$0x8] =	stream.linear.gather [hbm4b:s0+s5], $0x8, $0x38;
	[tilespmem:$0x10380] =	vst v63  }
0x28: {  	_ =	swait.ge [sflag:s21], $0x8  }
0x29: {  	[sflag:s21] =	ssyncset.done $0x0  }
0x2a: {  	s4 =	simm.s32 $0x6108;
	s24 =	rddreg [dreg:$0x6];
	[sflag:s21] =	ssyncadd.s32 $0xFFFFFFF8  }
0x2b: {  	[tilespmem:s4], [sflag:$0x8] =	stream.linear.gather [hbm4b:s24+s5], $0x8, $0x38;
	[tilespmem:$0x10380] =	vst v63  }
0x2c: {  	_ =	swait.ge [sflag:s21], $0x8  }
0x2d: {  	[sflag:s21] =	ssyncset.done $0x0  }
0x2e: {  	s25 =	simm.s32 $0x8188;
	[sflag:s21] =	ssyncadd.s32 $0xFFFFFFF8  }
0x2f: {  	v4 =	vimm.s32 $0x805001;
	[tilespmem:s25], [sflag:$0x8] =	stream.linear.gather [hbm4b:s0+s5], $0x8, $0x38;
	[tilespmem:$0x10380] =	vst v63  }
0x30: {  	v5 =	vadd.s32 $0xF, v4;
	_ =	swait.ge [sflag:s21], $0x8  }
0x31: {  	v5 =	vshrl.u32 v5, $0x4;
	[sflag:s21] =	ssyncset.done $0x0  }
0x32: {  	s26 =	simm.s32 $0xA208;
	v6 =	vmul.u32 v1, v5;
	[sflag:s21] =	ssyncadd.s32 $0xFFFFFFF8  }
0x33: {  	v7 =	vimm.s32 $0x0;
	[tilespmem:s26], [sflag:$0x8] =	stream.linear.gather [hbm4b:s0+s5], $0x8, $0x38;
	[tilespmem:$0x10380] =	vst v63  }
0x34: {  	v6 =	vadd.s32 v7, v6;
	_ =	swait.ge [sflag:s21], $0x8  }
0x35: {  	vm1 =	vlt.s32 v6, $0x804FFF;
	[sflag:s21] =	ssyncset.done $0x0  }
0x36: {  	s29 =	simm.s32 $0xC288;
	v8 =	vnsel vm1, $0x804FFF, v6;
	[sflag:s21] =	ssyncadd.s32 $0xFFFFFFF8  }
0x37: {  	[tilespmem:s29], [sflag:$0x8] =	stream.linear.gather [hbm4b:s24+s5], $0x8, $0x38;
	[tilespmem:$0x10380] =	vst v63  }
0x38: {  	_ =	swait.ge [sflag:s21], $0x8  }
0x39: {  	[sflag:s21] =	ssyncset.done $0x0  }
0x3a: {  	[sflag:s21] =	ssyncadd.s32 $0xFFFFFFF8  }
0x3b: {  	[tilespmem:s18], [sflag:$0x1] =	stream.indirect_vreg.gather [hbm4b:s1+s5], $0x1, v8, vm0, $0xb8;
	[tilespmem:$0x10380] =	vst v63  }
0x3c: {  	_ =	swait.ge [sflag:s19], $0x10  }
0x3d: {  	[sflag:s19] =	ssyncset.done $0x0  }
0x3e: {  	[sflag:s19] =	ssyncadd.s32 $0xFFFFFFF0  }
0x3f: {  	v62 =	vld [tilespmem:$0x10300];
	_ =	sdelay $0x2  }
0x40: {  	v9 =	vadd.s32 v7, v4  }
0x41: {  	vm2 =	vlt.s32 v6, $0x805000;
	vm1 =	vlt.s32 v6, v9  }
0x42: {  	vm1 =	vmand vm1, vm2;
	vm2 =	vlt.s32 v62, v0  }
0x43: {  	vm1 =	vmand vm1, vm2  }
0x44: {  	v6 =	vmpcnt.ones.xlane vm1;
	_ =	sdelay $0x1  }
0x45: {  	v63 =	vadd.s32 $0xFFFFFFFF, v6  }
0x46: {  	v8 =	vmul.u32 v5, v63;
	_ =	sdelay $0x1  }
0x47: {  	v8 =	vadd.s32 $0x1, v8  }
0x48: {  	v4 =	vsub.s32 v4, v8  }
0x49: {  	vm2 =	vlt.s32 v5, v4  }
0x4a: {  	vm1 =	vgt.s32 v6, $0x0;
	v5 =	vsel vm2, v5, v4  }
0x4b: {  	v4 =	vnsel vm1, $0x0, v8;
	vm2 =	vgt.s32 v5, $0x1  }
0x4c: {  	s0 =	simm.s32 $0x6;
	v4 =	vadd.s32 v7, v4;
	v5 =	vnsel vm2, $0x1, v5  }
.LBB2_2:
0x4d: {  	p0 =	sne.s32 s0, $0x1;
	s0 =	sadd.s32 $0xFFFFFFFF, s0;
	v5 =	vnsel vm1, $0x1, v5  }
0x4e: {  	v6 =	vadd.s32 $0xF, v5  }
0x4f: {  	v6 =	vshrl.u32 v6, $0x4  }
0x50: {  	v7 =	vmul.u32 v1, v6;
	_ =	sdelay $0x1  }
0x51: {  	v8 =	vadd.s32 v4, v5;
	v7 =	vadd.s32 v4, v7  }
0x52: {  	vm1 =	vlt.s32 v7, $0x804FFF;
	vm2 =	vlt.s32 v7, v8;
	vm3 =	vlt.s32 v7, $0x805000  }
0x53: {  	v7 =	vnsel vm1, $0x804FFF, v7;
	vm1 =	vmand vm2, vm3;
	_ =	sdelay $0x4  }
0x54: {  	[tilespmem:s18], [sflag:$0x1] =	stream.indirect_vreg.gather [hbm4b:s1+s5], $0x1, v7, vm0, $0xb8;
	[tilespmem:$0x10380] =	vst v63  }
0x55: {  	_ =	swait.ge [sflag:s19], $0x10  }
0x56: {  	[sflag:s19] =	ssyncset.done $0x0  }
0x57: {  	[sflag:s19] =	ssyncadd.s32 $0xFFFFFFF0  }
0x58: {  	v7 =	vld [tilespmem:$0x10300];
	_ =	sdelay $0x4  }
0x59: {  	vm2 =	vlt.s32 v7, v0  }
0x5a: {  	vm1 =	vmand vm1, vm2  }
0x5b: {  	v7 =	vmpcnt.ones.xlane vm1;
	_ =	sdelay $0x1  }
0x5c: {  	v8 =	vadd.s32 $0xFFFFFFFF, v7  }
0x5d: {  	v8 =	vmul.u32 v6, v8;
	_ =	sdelay $0x1  }
0x5e: {  	vm1 =	vgt.s32 v7, $0x0;
	v8 =	vadd.s32 $0x1, v8  }
.Ltmp2:
0x5f: {  	v7 =	vnsel vm1, $0x0, v8;
	v5 =	vsub.s32 v5, v8;
	(pc) =	sbr.rel @p0 .LBB2_2-.Ltmp2, $4  }
0x60: {  	v4 =	vadd.s32 v4, v7;
	vm2 =	vlt.s32 v6, v5  }
0x61: {  	v5 =	vsel vm2, v6, v5  }
0x62: {  	vm2 =	vgt.s32 v5, $0x1  }
0x63: {  	v5 =	vnsel vm2, $0x1, v5  }
0x64: {  	v4 =	vxor.u32 $0x80000000, v4  }
0x65: {  	(xrf0) =	vmax.scan.msk.u32 $0xffff, v4;
	_ =	sdelay $0x5  }
0x66: {  	v4, _, _ =	vpop (xrf0)  }
0x67: {  	(v2sf) =	vpush v4, $0xF;
	_ =	sdelay $0xe  }
0x68: {  	s0 =	spop (v2sf)  }
0x69: {  	s17 =	sxor.u32 $0x80000000, s0  }
0x6a: {  	s0 =	sand.u32 $0xFFFFFFF8, s17  }
0x6b: {  	p0 =	slt.s32 s0, $0x802FF8  }
0x6c: {  	s0 =	simm.s32 @!p0 $0x802FF8  }
0x6d: {  	s0 =	sshrl.u32 s0, $0x3  }
0x6e: {  	s13 =	simm.s32 $0x0;
	s2 =	sadd.s32 s1, s0  }
0x6f: {  	[tilespmem:s13], [sflag:$0x2] =	stream.linear.gather [hbm4b:s2+s13], $0x2008, $0x38;
	[tilespmem:$0x10380] =	vst v63  }
.Ltmp3:
0x70: {  	_ = 	snop;
	(pc) =	sbr.rel .LBB2_4-.Ltmp3, $4  }
0x71: {  	s3 =	simm.s32 $0x2080;
	s26 =	rddreg [dreg:$0x2];
	s25 =	sadd.s32 s30, s0  }
0x72: {  	[tilespmem:s3], [sflag:$0x4] =	stream.linear.gather [hbm4b:s25+s13], $0x2008, $0x38;
	[tilespmem:$0x10380] =	vst v63  }
0x73: {  	s29 =	simm.s32 $0x4100;
	s0 =	sadd.s32 s26, s0  }
0x74: {  	[tilespmem:s29], [sflag:$0x4] =	stream.linear.gather [hbm4b:s0+s13], $0x2008, $0x38;
	[tilespmem:$0x10380] =	vst v63  }
.LBB2_26:
0x75: {  	v5 =	vld [tilespmem:s4+$0x6180]  }
0x76: {  	v6 =	vld [tilespmem:s4+$0x8200];
	_ =	sdelay $0x3  }
0x77: {  	p0 =	sgt.s32 s4, s6  }
0x78: {  	v7 =	vor.u32 s4, v1;
	s6 =	smov.u32 @p0 s4;
	v5 =	vshll.u32 v5, $0xC;
	v4 =	vadd.s32 v4, v6  }
0x79: {  	vm2 =	vlt.s32 v7, s0;
	vm1 =	vge.s32 v7, s6;
	v4 =	vadd.s32 v5, v4  }
0x7a: {  	vm1 =	vmand vm1, vm2;
	v5 =	vand.u32 $0x7F, v6;
	v4 =	vand.u32 $0xFFFFFF80, v4  }
0x7b: {  	v62 =	vld [tilespmem:s4+$0xA280];
	v4 =	vor.u32 v5, v4  }
0x7c: {  	v5 =	vmov s14  }
0x7d: {  	s13 =	sadd.s32 $0x1, s13;
	v63 =	vor.u32 $0x1001, v5  }
0x7e: {  	p0 =	sne.s32 s13, $0x20  }
.Ltmp4:
0x7f: {  	_ = 	snop;
	(pc) =	sbr.rel @!p0 .LBB2_27-.Ltmp4, $4  }
0x80: {  	[tilespmem:v4+s31+$0x0] =	vst.idx.msk vm1, v62  }
0x81: {  	s29 =	sshll.u32 s14, $0x9;
	s2 =	rddreg [dreg:$0x7];
	[tilespmem:v5+s31+$0x0] =	vst.idx.msk $0x1, v3  }
0x82: {  	s0 =	sadd.s32 s2, s29;
	[tilespmem:v63+s31+$0x0] =	vst.idx.msk $0x1, v3  }
0x83: {  	[hbm4b:s0+s5] =	stream.linear.scatter [tilespmem:s31], [sflag:$0x7], $0x2000, $0x38;
	[tilespmem:$0x10380] =	vst v63  }
.LBB2_4:
0x84: {  	s15 =	sand.u32 $0xFFFFFFF8, s17  }
0x85: {  	s4 =	simm.s32 $0x2;
	p0 =	slt.s32 s15, $0x802FF8  }
0x86: {  	s0 =	sshll.u32 s13, $0x2;
	_ =	swait.ge [sflag:s4], $0x2008;
	s15 =	simm.s32 @!p0 $0x802FF8  }
0x87: {  	s3 =	rddreg [dreg:$0x8];
	[sflag:s4] =	ssyncset.done $0x0;
	s2 =	ssub.s32 $0x805000, s15  }
0x88: {  	s0 =	sor.u32 s3, s0;
	s6 =	ssub.s32 s17, s15;
	p0 =	slt.s32 s2, $0x2010  }
0x89: {  	[sflag:s4] =	ssyncadd.s32 $0xFFFFDFF8;
	s3 =	simm.s32 $0xD;
	s2 =	simm.s32 @!p0 $0x2010  }
0x8a: {  	s14 =	sor.u32 $0x2, s0;
	s16 =	smov.u32 s6;
	s4 =	sadd.s32 s6, s2  }
.LBB2_5:
0x8b: {  	p0 =	sne.s32 s3, $0x1;
	s4 =	sshra.s32 s4, $0x1  }
0x8c: {  	v4 =	vmov s4;
	s7 =	sadd.s32 $0x1, s4;
	_ =	sdelay $0x4  }
0x8d: {  	v4 =	vld.idx.msk [tilespmem:v4+s5+$0x0], $0xffff;
	_ =	sdelay $0x5  }
0x8e: {  	v4 =	vxor.u32 $0x80000000, v4  }
0x8f: {  	(xrf0) =	vmax.scan.msk.u32 $0xffff, v4;
	_ =	sdelay $0x5  }
0x90: {  	v4, _, _ =	vpop (xrf0)  }
0x91: {  	(v2sf) =	vpush v4, $0xF;
	_ =	sdelay $0xe  }
0x92: {  	s8 =	spop (v2sf)  }
.Ltmp5:
0x93: {  	s8 =	sxor.u32 $0x80000000, s8;
	(pc) =	sbr.rel @p0 .LBB2_5-.Ltmp5, $4  }
0x94: {  	p1 =	slt.s32 s8, s14;
	s8 =	smov.u32 s16  }
0x95: {  	p2 =	slt.s32 s16, s2;
	s8 =	smov.u32 @p1 s7;
	s4 =	smov.u32 @p1 s2  }
0x96: {  	s16 =	smov.u32 @p2 s8;
	s2 =	smov.u32 @p2 s4  }
0x97: {  	s3 =	sadd.s32 $0xFFFFFFFF, s3;
	s4 =	sadd.s32 s16, s2  }
0x98: {  	s3 =	sshra.s32 s4, $0x1  }
0x99: {  	v4 =	vmov s3;
	_ =	sdelay $0x4  }
0x9a: {  	v4 =	vld.idx.msk [tilespmem:v4+s5+$0x0], $0xffff;
	_ =	sdelay $0x4  }
0x9b: {  	v4 =	vxor.u32 $0x80000000, v4  }
0x9c: {  	(xrf0) =	vmax.scan.msk.u32 $0xffff, v4;
	_ =	sdelay $0x5  }
0x9d: {  	v4, _, _ =	vpop (xrf0)  }
0x9e: {  	(v2sf) =	vpush v4, $0xF;
	_ =	sdelay $0xe  }
0x9f: {  	s21 =	spop (v2sf)  }
0xa0: {  	s4 =	sxor.u32 $0x80000000, s21  }
0xa1: {  	s3 =	sadd.s32 $0x1, s3;
	p0 =	slt.s32 s4, s14;
	s4 =	smov.u32 s16  }
0xa2: {  	p1 =	slt.s32 s16, s2;
	s4 =	smov.u32 @p0 s3  }
0xa3: {  	s16 =	smov.u32 @p1 s4  }
0xa4: {  	s4 =	sadd.s32 s15, s16  }
0xa5: {  	s10 =	sand.u32 $0xFFFFFFF8, s4  }
0xa6: {  	p0 =	slt.s32 s10, $0x802FF8  }
0xa7: {  	s10 =	simm.s32 @!p0 $0x802FF8  }
0xa8: {  	s22 =	sshrl.u32 s10, $0x3  }
0xa9: {  	s24 =	sadd.s32 s1, s22  }
0xaa: {  	[tilespmem:s23], [sflag:$0x3] =	stream.linear.gather [hbm4b:s24+s5], $0x2008, $0x38;
	[tilespmem:$0x10380] =	vst v63  }
0xab: {  	s7 =	simm.s32 $0x8200;
	s26 =	rddreg [dreg:$0x2];
	s25 =	sadd.s32 s30, s22  }
0xac: {  	[tilespmem:s7], [sflag:$0x5] =	stream.linear.gather [hbm4b:s25+s5], $0x2008, $0x38;
	[tilespmem:$0x10380] =	vst v63  }
0xad: {  	s29 =	simm.s32 $0xA280;
	p0 =	seq.s32 s13, $0x0;
	s2 =	sadd.s32 s26, s22  }
0xae: {  	[tilespmem:s29], [sflag:$0x5] =	stream.linear.gather [hbm4b:s2+s5], $0x2008, $0x38;
	[tilespmem:$0x10380] =	vst v63  }
0xaf: {  	s2 =	simm.s32 @!p0 $0x6  }
0xb0: {  	_ =	swait.ge @!p0 [sflag:s2], $0x2000  }
0xb1: {  	[sflag:s2] =	ssyncset.done @!p0 $0x0  }
0xb2: {  	[sflag:s2] =	ssyncadd.s32 @!p0 $0xFFFFE000;
	s2 =	simm.s32 $0xC380  }
0xb3: {  	[tilespmem:s2+$0xFFFFFF80] =	vst v2  }
0xb4: {  	[tilespmem:s2+$0x70] =	vst v2  }
0xb5: {  	[tilespmem:s2+$0x60] =	vst v2  }
0xb6: {  	[tilespmem:s2+$0x50] =	vst v2  }
0xb7: {  	[tilespmem:s2+$0x40] =	vst v2  }
0xb8: {  	[tilespmem:s2+$0x30] =	vst v2  }
0xb9: {  	[tilespmem:s2+$0x20] =	vst v2  }
0xba: {  	[tilespmem:s2+$0x10] =	vst v2  }
0xbb: {  	[tilespmem:s2+$0x0] =	vst v2  }
0xbc: {  	[tilespmem:s2+$0xFFFFFFF0] =	vst v2  }
0xbd: {  	[tilespmem:s2+$0xFFFFFFE0] =	vst v2  }
0xbe: {  	[tilespmem:s2+$0xFFFFFFD0] =	vst v2  }
0xbf: {  	[tilespmem:s2+$0xFFFFFFC0] =	vst v2  }
0xc0: {  	[tilespmem:s2+$0xFFFFFFB0] =	vst v2  }
0xc1: {  	s3 =	simm.s32 $0x0;
	[tilespmem:s2+$0xFFFFFFA0] =	vst v2  }
.LBB2_7:
0xc2: {  	s3 =	sadd.s32 $0x2, s3;
	[tilespmem:s2+$0xFFFFFF90] =	vst v2;
	s2 =	sadd.s32 $0x100, s2  }
0xc3: {  	[tilespmem:s2+$0xFFFFFF80] =	vst v2;
	p1 =	slt.u32 s3, $0x3E  }
0xc4: {  	[tilespmem:s2+$0x70] =	vst v2  }
0xc5: {  	[tilespmem:s2+$0x60] =	vst v2  }
0xc6: {  	[tilespmem:s2+$0x50] =	vst v2  }
0xc7: {  	[tilespmem:s2+$0x40] =	vst v2  }
0xc8: {  	[tilespmem:s2+$0x30] =	vst v2  }
0xc9: {  	[tilespmem:s2+$0x20] =	vst v2  }
0xca: {  	[tilespmem:s2+$0x10] =	vst v2  }
0xcb: {  	[tilespmem:s2+$0x0] =	vst v2  }
0xcc: {  	[tilespmem:s2+$0xFFFFFFF0] =	vst v2  }
.Ltmp6:
0xcd: {  	[tilespmem:s2+$0xFFFFFFE0] =	vst v2;
	(pc) =	sbr.rel @p1 .LBB2_7-.Ltmp6, $4  }
0xce: {  	[tilespmem:s2+$0xFFFFFFD0] =	vst v2  }
0xcf: {  	[tilespmem:s2+$0xFFFFFFC0] =	vst v2  }
0xd0: {  	[tilespmem:s2+$0xFFFFFFB0] =	vst v2  }
0xd1: {  	[tilespmem:s2+$0xFFFFFFA0] =	vst v2  }
0xd2: {  	[tilespmem:s2+$0xFFFFFF90] =	vst v2;
	s29 =	simm.s32 $0x4  }
0xd3: {  	_ =	swait.ge [sflag:s29], $0x2008  }
0xd4: {  	[sflag:s29] =	ssyncset.done $0x0  }
0xd5: {  	[sflag:s29] =	ssyncadd.s32 $0xFFFFDFF8  }
0xd6: {  	_ =	swait.ge [sflag:s29], $0x2008  }
0xd7: {  	[sflag:s29] =	ssyncset.done $0x0  }
0xd8: {  	s3 =	sand.u32 $0xFFFFFFF0, s6;
	[sflag:s29] =	ssyncadd.s32 $0xFFFFDFF8  }
0xd9: {  	v4 =	vld [tilespmem:s3+$0x0]  }
0xda: {  	v5 =	vld [tilespmem:s3+$0x2080]  }
0xdb: {  	s2 =	sadd.s32 $0xF, s6;
	s7 =	sshll.u32 s0, $0xC  }
0xdc: {  	s8 =	sand.u32 $0xFFFFFFF0, s2;
	s9 =	ssub.s32 $0x0, s7;
	s7 =	sand.u32 $0xFFFFFFF0, s16  }
0xdd: {  	s11 =	smov.u32 s16;
	p1 =	slt.s32 s8, s16;
	s24 =	ssub.s32 s7, s8  }
0xde: {  	s11 =	smov.u32 @p1 s8;
	p1 =	sgt.s32 s24, $0x0  }
0xdf: {  	v6 =	vor.u32 s3, v1;
	s24 =	simm.s32 @!p1 $0x0;
	v4 =	vshll.u32 v4, $0xC;
	v7 =	vadd.s32 s9, v5  }
0xe0: {  	vm1 =	vge.s32 v6, s6;
	vm2 =	vlt.s32 v6, s11;
	s11 =	sshrl.u32 s24, $0x4;
	v4 =	vadd.s32 v4, v7  }
0xe1: {  	vm1 =	vmand vm1, vm2;
	s12 =	sand.u32 $0x7FFFFF8, s11;
	v5 =	vand.u32 $0x7F, v5;
	v4 =	vand.u32 $0xFFFFFF80, v4  }
0xe2: {  	v6 =	vld [tilespmem:s3+$0x4100];
	p1 =	seq.s32 s12, $0x0;
	v5 =	vor.u32 v5, v4  }
.Ltmp7:
0xe3: {  	_ = 	snop;
	(pc) =	sbr.rel @p1 .LBB2_12-.Ltmp7, $2  }
0xe4: {  	_ =	sdelay $0x2  }
0xe5: {  	v4 =	vmov s9;
	[tilespmem:v5+s28+$0x0] =	vst.idx.msk vm1, v6  }
0xe6: {  	s3 =	ssub.s32 s17, s15  }
0xe7: {  	s3 =	sadd.s32 $0x7F, s3  }
0xe8: {  	s8 =	sadd.s32 $0xFFFFFFA0, s3  }
0xe9: {  	[dreg:$0xb] =	wrdreg s17;
	s8 =	sand.u32 $0xFFFFFFF0, s8  }
0xea: {  	s20 =	sadd.s32 $0xFFFFFF90, s3;
	s9 =	sadd.s32 $0xFFFFFFB0, s3;
	v7 =	vld [tilespmem:s8+$0x0]  }
0xeb: {  	s25 =	sand.u32 $0x70, s2;
	s2 =	sand.u32 $0xFFFFFF80, s20;
	s9 =	sand.u32 $0xFFFFFFF0, s9;
	v8 =	vld [tilespmem:s8+$0x2080]  }
0xec: {  	s2 =	sor.u32 s25, s2;
	v9 =	vld [tilespmem:s9+$0x0]  }
0xed: {  	v5 =	vld [tilespmem:s2+$0x0]  }
0xee: {  	s21 =	sadd.s32 $0xFFFFFFD0, s3;
	s30 =	sadd.s32 $0xFFFFFFF0, s3;
	v6 =	vld [tilespmem:s2+$0x2080]  }
0xef: {  	s20 =	sadd.s32 $0xFFFFFFC0, s3;
	s29 =	sand.u32 $0xFFFFFFF0, s21;
	s21 =	sand.u32 $0xFFFFFFF0, s30;
	v10 =	vld [tilespmem:s9+$0x2080]  }
0xf0: {  	s22 =	sand.u32 $0xFFFFFFF0, s20;
	v18 =	vld [tilespmem:s21+$0x0]  }
0xf1: {  	s26 =	sadd.s32 $0xFFFFFFE0, s3;
	v12 =	vld [tilespmem:s22+$0x0]  }
0xf2: {  	v16 =	vld [tilespmem:s2+$0x4100];
	s2 =	sand.u32 $0xFFFFFFF0, s26  }
0xf3: {  	v15 =	vld [tilespmem:s2+$0x2080];
	v5 =	vshll.u32 v5, $0xC;
	v11 =	vadd.s32 v4, v6  }
0xf4: {  	v5 =	vadd.s32 v5, v11;
	v11 =	vld [tilespmem:s22+$0x2080]  }
0xf5: {  	v7 =	vshll.u32 v7, $0xC;
	v14 =	vadd.s32 v4, v8  }
0xf6: {  	v13 =	vld [tilespmem:s29+$0x0];
	v8 =	vand.u32 $0x7F, v8;
	v6 =	vand.u32 $0x7F, v6;
	v5 =	vand.u32 $0xFFFFFF80, v5  }
0xf7: {  	v18 =	vshll.u32 v18, $0xC;
	v17 =	vor.u32 v6, v5;
	v6 =	vshll.u32 v9, $0xC;
	v9 =	vld [tilespmem:s29+$0x2080]  }
0xf8: {  	v20 =	vadd.s32 v4, v15;
	v5 =	vadd.s32 v7, v14;
	v7 =	vadd.s32 v4, v10;
	v14 =	vld [tilespmem:s2+$0x0]  }
0xf9: {  	s20 =	sand.u32 $0xFFFFFFF0, s3;
	v6 =	vadd.s32 v6, v7;
	v7 =	vshll.u32 v12, $0xC;
	v12 =	vadd.s32 v4, v11  }
0xfa: {  	v19 =	vld [tilespmem:s20+$0x0];
	v10 =	vand.u32 $0x7F, v10;
	v5 =	vand.u32 $0xFFFFFF80, v5;
	v12 =	vadd.s32 v7, v12  }
0xfb: {  	v6 =	vand.u32 $0xFFFFFF80, v6;
	v7 =	vor.u32 v8, v5;
	v5 =	vand.u32 $0xFFFFFF80, v12;
	v12 =	vld [tilespmem:s21+$0x2080]  }
0xfc: {  	p1 =	sgt.u32 s12, $0x8;
	v6 =	vor.u32 v10, v6;
	v8 =	vshll.u32 v13, $0xC;
	v10 =	vadd.s32 v4, v9  }
.Ltmp8:
0xfd: {  	v21 =	vand.u32 $0x7F, v15;
	v8 =	vadd.s32 v8, v10;
	v10 =	vshll.u32 v14, $0xC;
	v14 =	vld [tilespmem:s20+$0x2080];
	(pc) =	sbr.rel @!p1 .LBB2_11-.Ltmp8, $4  }
0xfe: {  	v11 =	vand.u32 $0x7F, v11;
	v13 =	vld [tilespmem:s8+$0x4100];
	v9 =	vand.u32 $0x7F, v9;
	v8 =	vand.u32 $0xFFFFFF80, v8  }
0xff: {  	v5 =	vor.u32 v11, v5;
	v11 =	vld [tilespmem:s9+$0x4100];
	v8 =	vor.u32 v9, v8;
	v9 =	vadd.s32 v10, v20  }
0x100: {  	[tilespmem:v17+s28+$0x0] =	vst.idx.msk $0xffff, v16;
	v16 =	vshll.u32 v19, $0xC;
	v10 =	vld [tilespmem:s22+$0x4100];
	v9 =	vand.u32 $0xFFFFFF80, v9;
	v63 =	vadd.s32 v4, v12  }
0x101: {  	s3 =	sadd.s32 $0x80, s3;
	s9 =	simm.s32 $0x8;
	v15 =	vand.u32 $0x7F, v12;
	v12 =	vld [tilespmem:s29+$0x4100];
	v9 =	vor.u32 v21, v9;
	v17 =	vadd.s32 v18, v63  }
.LBB2_10:
0x102: {  	s8 =	sadd.s32 $0xFFFFFF90, s3;
	s22 =	sadd.s32 $0xFFFFFFA0, s3;
	s29 =	sadd.s32 $0xFFFFFFB0, s3;
	v18 =	vld [tilespmem:s2+$0x4100];
	v17 =	vand.u32 $0xFFFFFF80, v17;
	v19 =	vadd.s32 v4, v14;
	v14 =	vand.u32 $0x7F, v14  }
0x103: {  	s26 =	sadd.s32 $0xFFFFFFC0, s3;
	s9 =	sadd.s32 $0x8, s9;
	s2 =	sand.u32 $0xFFFFFF80, s8;
	[tilespmem:v7+s28+$0x0] =	vst.idx.msk $0xffff, v13;
	v7 =	vld [tilespmem:s21+$0x4100];
	v13 =	vor.u32 v15, v17;
	v15 =	vadd.s32 v16, v19  }
0x104: {  	p1 =	slt.u32 s9, s12;
	s17 =	sor.u32 s25, s2;
	s2 =	sadd.s32 $0xFFFFFFD0, s3;
	[tilespmem:v6+s28+$0x0] =	vst.idx.msk $0xffff, v11;
	v6 =	vld [tilespmem:s20+$0x4100];
	v11 =	vand.u32 $0xFFFFFF80, v15  }
0x105: {  	s8 =	sand.u32 $0xFFFFFFF0, s22;
	s21 =	sadd.s32 $0xFFFFFFF0, s3;
	s20 =	sadd.s32 $0xFFFFFFE0, s3;
	v15 =	vld [tilespmem:s17+$0x0];
	[tilespmem:v5+s28+$0x0] =	vst.idx.msk $0xffff, v10;
	v5 =	vor.u32 v14, v11  }
0x106: {  	s30 =	sand.u32 $0xFFFFFFF0, s29;
	s22 =	sand.u32 $0xFFFFFFF0, s26;
	s29 =	sand.u32 $0xFFFFFFF0, s2;
	v10 =	vld [tilespmem:s17+$0x2080];
	[tilespmem:v8+s28+$0x0] =	vst.idx.msk $0xffff, v12  }
0x107: {  	s21 =	sand.u32 $0xFFFFFFF0, s21;
	s2 =	sand.u32 $0xFFFFFFF0, s20;
	s20 =	sand.u32 $0xFFFFFFF0, s3;
	v8 =	vld [tilespmem:s8+$0x0];
	[tilespmem:v9+s28+$0x0] =	vst.idx.msk $0xffff, v18  }
0x108: {  	v9 =	vld [tilespmem:s8+$0x2080];
	[tilespmem:v13+s28+$0x0] =	vst.idx.msk $0xffff, v7  }
0x109: {  	v7 =	vld [tilespmem:s30+$0x0]  }
0x10a: {  	v11 =	vld [tilespmem:s30+$0x2080];
	[tilespmem:v5+s28+$0x0] =	vst.idx.msk $0xffff, v6  }
0x10b: {  	v5 =	vshll.u32 v15, $0xC;
	v6 =	vadd.s32 v4, v10;
	v12 =	vld [tilespmem:s22+$0x0]  }
0x10c: {  	v5 =	vadd.s32 v5, v6;
	v6 =	vshll.u32 v8, $0xC;
	v8 =	vld [tilespmem:s22+$0x2080]  }
0x10d: {  	v10 =	vand.u32 $0x7F, v10;
	v5 =	vand.u32 $0xFFFFFF80, v5;
	v13 =	vadd.s32 v4, v9;
	v14 =	vld [tilespmem:s29+$0x0]  }
0x10e: {  	v15 =	vld [tilespmem:s17+$0x4100];
	v5 =	vor.u32 v10, v5;
	v6 =	vadd.s32 v6, v13;
	v7 =	vshll.u32 v7, $0xC  }
0x10f: {  	v9 =	vand.u32 $0x7F, v9;
	v6 =	vand.u32 $0xFFFFFF80, v6;
	v10 =	vadd.s32 v4, v11;
	v13 =	vld [tilespmem:s29+$0x2080]  }
0x110: {  	v7 =	vadd.s32 v7, v10;
	v10 =	vand.u32 $0x7F, v11;
	v11 =	vshll.u32 v12, $0xC;
	v12 =	vld [tilespmem:s2+$0x0]  }
0x111: {  	v16 =	vand.u32 $0xFFFFFF80, v7;
	v17 =	vadd.s32 v4, v8;
	v8 =	vand.u32 $0x7F, v8;
	v18 =	vld [tilespmem:s2+$0x2080]  }
0x112: {  	v7 =	vor.u32 v9, v6;
	v9 =	vadd.s32 v11, v17;
	v11 =	vshll.u32 v14, $0xC;
	v17 =	vld [tilespmem:s21+$0x0]  }
0x113: {  	v6 =	vor.u32 v10, v16;
	[tilespmem:v5+s28+$0x0] =	vst.idx.msk $0xffff, v15;
	v5 =	vand.u32 $0xFFFFFF80, v9;
	v9 =	vld [tilespmem:s21+$0x2080]  }
0x114: {  	v5 =	vor.u32 v8, v5;
	v8 =	vadd.s32 v4, v13;
	v10 =	vand.u32 $0x7F, v13;
	v16 =	vld [tilespmem:s20+$0x0]  }
.Ltmp9:
0x115: {  	v8 =	vadd.s32 v11, v8;
	v12 =	vshll.u32 v12, $0xC;
	v14 =	vld [tilespmem:s20+$0x2080];
	(pc) =	sbr.rel @p1 .LBB2_10-.Ltmp9, $4  }
0x116: {  	v13 =	vld [tilespmem:s8+$0x4100];
	v8 =	vand.u32 $0xFFFFFF80, v8;
	v15 =	vadd.s32 v4, v18;
	v18 =	vand.u32 $0x7F, v18  }
0x117: {  	v11 =	vld [tilespmem:s30+$0x4100];
	v8 =	vor.u32 v10, v8;
	v12 =	vadd.s32 v12, v15;
	v17 =	vshll.u32 v17, $0xC  }
0x118: {  	v10 =	vld [tilespmem:s22+$0x4100];
	v19 =	vand.u32 $0xFFFFFF80, v12;
	v20 =	vadd.s32 v4, v9;
	v15 =	vand.u32 $0x7F, v9  }
0x119: {  	s3 =	sadd.s32 $0x80, s3;
	v12 =	vld [tilespmem:s29+$0x4100];
	v9 =	vor.u32 v18, v19;
	v17 =	vadd.s32 v17, v20;
	v16 =	vshll.u32 v16, $0xC  }
.LBB2_11:
0x11a: {  	_ =	sdelay $0x1  }
0x11b: {  	v18 =	vadd.s32 v4, v14  }
0x11c: {  	v19 =	vld [tilespmem:s2+$0x4100];
	v17 =	vand.u32 $0xFFFFFF80, v17;
	v16 =	vadd.s32 v16, v18  }
0x11d: {  	v60 =	vand.u32 $0x7F, v14;
	[tilespmem:v7+s28+$0x0] =	vst.idx.msk $0xffff, v13;
	v7 =	vld [tilespmem:s21+$0x4100];
	v61 =	vor.u32 v15, v17;
	v62 =	vand.u32 $0xFFFFFF80, v16  }
0x11e: {  	[tilespmem:v6+s28+$0x0] =	vst.idx.msk $0xffff, v11;
	v6 =	vld [tilespmem:s20+$0x4100];
	v63 =	vor.u32 v60, v62  }
0x11f: {  	[tilespmem:v5+s28+$0x0] =	vst.idx.msk $0xffff, v10  }
0x120: {  	[tilespmem:v8+s28+$0x0] =	vst.idx.msk $0xffff, v12  }
0x121: {  	[tilespmem:v9+s28+$0x0] =	vst.idx.msk $0xffff, v19  }
0x122: {  	[tilespmem:v61+s28+$0x0] =	vst.idx.msk $0xffff, v7  }
0x123: {  	s30 =	rddreg [dreg:$0x1];
	[tilespmem:v63+s28+$0x0] =	vst.idx.msk $0xffff, v6  }
0x124: {  	s17 =	rddreg [dreg:$0xb]  }
.LBB2_12:
0x125: {  	p1 =	seq.s32 s12, s11  }
.Ltmp10:
0x126: {  	_ = 	snop;
	(pc) =	sbr.rel @p1 .LBB2_15-.Ltmp10, $1  }
0x127: {  	_ =	sdelay $0x3  }
0x128: {  	s2 =	ssub.s32 s17, s15;
	s3 =	sand.u32 $0x7FFFFF80, s24  }
0x129: {  	s2 =	sadd.s32 s3, s2  }
0x12a: {  	s2 =	sadd.s32 $0xF, s2  }
.LBB2_14:
0x12b: {  	s3 =	sand.u32 $0xFFFFFFF0, s2  }
0x12c: {  	v5 =	vld [tilespmem:s3+$0x0]  }
0x12d: {  	v6 =	vld [tilespmem:s3+$0x2080];
	_ =	sdelay $0x4  }
0x12e: {  	v5 =	vshll.u32 v5, $0xC;
	v7 =	vadd.s32 v4, v6  }
0x12f: {  	v5 =	vadd.s32 v5, v7  }
0x130: {  	s12 =	sadd.s32 $0x1, s12;
	v6 =	vand.u32 $0x7F, v6;
	v5 =	vand.u32 $0xFFFFFF80, v5  }
0x131: {  	p1 =	slt.u32 s12, s11;
	v7 =	vld [tilespmem:s3+$0x4100];
	v5 =	vor.u32 v6, v5  }
.Ltmp11:
0x132: {  	_ = 	snop;
	(pc) =	sbr.rel @p1 .LBB2_14-.Ltmp11, $2  }
0x133: {  	_ =	sdelay $0x2  }
0x134: {  	s2 =	sadd.s32 $0x10, s2;
	[tilespmem:v5+s28+$0x0] =	vst.idx.msk $0xffff, v7  }
.LBB2_15:
0x135: {  	v5 =	vld [tilespmem:s7+$0x0]  }
0x136: {  	v6 =	vld [tilespmem:s7+$0x2080];
	_ =	sdelay $0x3  }
0x137: {  	p1 =	sgt.s32 s7, s6  }
0x138: {  	v7 =	vor.u32 s7, v1;
	s6 =	smov.u32 @p1 s7;
	v5 =	vshll.u32 v5, $0xC;
	v4 =	vadd.s32 v4, v6  }
0x139: {  	vm2 =	vlt.s32 v7, s16;
	vm1 =	vge.s32 v7, s6;
	v4 =	vadd.s32 v5, v4  }
0x13a: {  	vm1 =	vmand vm1, vm2;
	v5 =	vand.u32 $0x7F, v6;
	v4 =	vand.u32 $0xFFFFFF80, v4  }
0x13b: {  	v62 =	vld [tilespmem:s7+$0x4100];
	v4 =	vor.u32 v5, v4  }
0x13c: {  	v5 =	vmov s0  }
0x13d: {  	v63 =	vor.u32 $0x1001, v5;
	_ =	sdelay $0x2  }
0x13e: {  	[tilespmem:v4+s28+$0x0] =	vst.idx.msk vm1, v62  }
0x13f: {  	s2 =	sshll.u32 s0, $0x9;
	s3 =	rddreg [dreg:$0x7];
	[tilespmem:v5+s28+$0x0] =	vst.idx.msk $0x1, v3  }
0x140: {  	s2 =	sadd.s32 s3, s2;
	[tilespmem:v63+s28+$0x0] =	vst.idx.msk $0x1, v3  }
0x141: {  	[hbm4b:s2+s5] =	stream.linear.scatter [tilespmem:s28], [sflag:$0x6], $0x2000, $0x38;
	[tilespmem:$0x10380] =	vst v63  }
0x142: {  	s29 =	simm.s32 $0x3;
	s3 =	sadd.s32 $0x4, s0;
	s2 =	ssub.s32 $0x805000, s10  }
0x143: {  	s6 =	ssub.s32 s4, s10;
	_ =	swait.ge [sflag:s29], $0x2008;
	p1 =	slt.s32 s2, $0x2010  }
0x144: {  	s4 =	simm.s32 $0xD;
	[sflag:s29] =	ssyncset.done $0x0;
	s2 =	simm.s32 @!p1 $0x2010  }
0x145: {  	s0 =	smov.u32 s6;
	[sflag:s29] =	ssyncadd.s32 $0xFFFFDFF8;
	s7 =	sadd.s32 s6, s2  }
.LBB2_16:
0x146: {  	p1 =	sne.s32 s4, $0x1;
	s7 =	sshra.s32 s7, $0x1  }
0x147: {  	v4 =	vmov s7;
	s8 =	sadd.s32 $0x1, s7;
	_ =	sdelay $0x4  }
0x148: {  	v4 =	vld.idx.msk [tilespmem:v4+s23+$0x0], $0xffff;
	_ =	sdelay $0x5  }
0x149: {  	v4 =	vxor.u32 $0x80000000, v4  }
0x14a: {  	(xrf0) =	vmax.scan.msk.u32 $0xffff, v4;
	_ =	sdelay $0x5  }
0x14b: {  	v4, _, _ =	vpop (xrf0)  }
0x14c: {  	(v2sf) =	vpush v4, $0xF;
	_ =	sdelay $0xe  }
0x14d: {  	s9 =	spop (v2sf)  }
.Ltmp12:
0x14e: {  	s9 =	sxor.u32 $0x80000000, s9;
	(pc) =	sbr.rel @p1 .LBB2_16-.Ltmp12, $4  }
0x14f: {  	p2 =	slt.s32 s9, s3;
	s9 =	smov.u32 s0  }
0x150: {  	p3 =	slt.s32 s0, s2;
	s9 =	smov.u32 @p2 s8;
	s7 =	smov.u32 @p2 s2  }
0x151: {  	s0 =	smov.u32 @p3 s9;
	s2 =	smov.u32 @p3 s7  }
0x152: {  	s4 =	sadd.s32 $0xFFFFFFFF, s4;
	s7 =	sadd.s32 s0, s2  }
0x153: {  	s4 =	sshra.s32 s7, $0x1  }
0x154: {  	v4 =	vmov s4;
	_ =	sdelay $0x4  }
0x155: {  	v4 =	vld.idx.msk [tilespmem:v4+s23+$0x0], $0xffff;
	_ =	sdelay $0x4  }
0x156: {  	v4 =	vxor.u32 $0x80000000, v4  }
0x157: {  	(xrf0) =	vmax.scan.msk.u32 $0xffff, v4;
	_ =	sdelay $0x5  }
0x158: {  	v4, _, _ =	vpop (xrf0)  }
0x159: {  	(v2sf) =	vpush v4, $0xF;
	_ =	sdelay $0xe  }
0x15a: {  	s21 =	spop (v2sf)  }
0x15b: {  	s7 =	sxor.u32 $0x80000000, s21  }
0x15c: {  	s4 =	sadd.s32 $0x1, s4;
	p1 =	slt.s32 s7, s3;
	s3 =	smov.u32 s0  }
0x15d: {  	p2 =	slt.s32 s0, s2;
	s3 =	smov.u32 @p1 s4  }
0x15e: {  	s0 =	smov.u32 @p2 s3  }
0x15f: {  	s17 =	sadd.s32 s10, s0  }
0x160: {  	s2 =	sand.u32 $0xFFFFFFF8, s17  }
0x161: {  	p1 =	slt.s32 s2, $0x802FF8  }
0x162: {  	s2 =	simm.s32 @!p1 $0x802FF8  }
0x163: {  	s2 =	sshrl.u32 s2, $0x3  }
0x164: {  	s22 =	sadd.s32 s1, s2  }
0x165: {  	[tilespmem:s5], [sflag:$0x2] =	stream.linear.gather [hbm4b:s22+s5], $0x2008, $0x38;
	[tilespmem:$0x10380] =	vst v63  }
0x166: {  	s25 =	simm.s32 $0x2080;
	s26 =	rddreg [dreg:$0x2];
	s24 =	sadd.s32 s30, s2  }
0x167: {  	[tilespmem:s25], [sflag:$0x4] =	stream.linear.gather [hbm4b:s24+s5], $0x2008, $0x38;
	[tilespmem:$0x10380] =	vst v63  }
0x168: {  	s29 =	simm.s32 $0x4100;
	s2 =	sadd.s32 s26, s2  }
0x169: {  	[tilespmem:s29], [sflag:$0x4] =	stream.linear.gather [hbm4b:s2+s5], $0x2008, $0x38;
	[tilespmem:$0x10380] =	vst v63  }
0x16a: {  	s2 =	simm.s32 @!p0 $0x7  }
0x16b: {  	_ =	swait.ge @!p0 [sflag:s2], $0x2000  }
0x16c: {  	[sflag:s2] =	ssyncset.done @!p0 $0x0  }
0x16d: {  	[sflag:s2] =	ssyncadd.s32 @!p0 $0xFFFFE000;
	s2 =	simm.s32 $0xE380  }
0x16e: {  	[tilespmem:s2+$0xFFFFFF80] =	vst v2  }
0x16f: {  	[tilespmem:s2+$0x70] =	vst v2  }
0x170: {  	[tilespmem:s2+$0x60] =	vst v2  }
0x171: {  	[tilespmem:s2+$0x50] =	vst v2  }
0x172: {  	[tilespmem:s2+$0x40] =	vst v2  }
0x173: {  	[tilespmem:s2+$0x30] =	vst v2  }
0x174: {  	[tilespmem:s2+$0x20] =	vst v2  }
0x175: {  	[tilespmem:s2+$0x10] =	vst v2  }
0x176: {  	[tilespmem:s2+$0x0] =	vst v2  }
0x177: {  	[tilespmem:s2+$0xFFFFFFF0] =	vst v2  }
0x178: {  	[tilespmem:s2+$0xFFFFFFE0] =	vst v2  }
0x179: {  	[tilespmem:s2+$0xFFFFFFD0] =	vst v2  }
0x17a: {  	[tilespmem:s2+$0xFFFFFFC0] =	vst v2  }
0x17b: {  	[tilespmem:s2+$0xFFFFFFB0] =	vst v2  }
0x17c: {  	s3 =	simm.s32 $0x0;
	[tilespmem:s2+$0xFFFFFFA0] =	vst v2  }
.LBB2_18:
0x17d: {  	s3 =	sadd.s32 $0x2, s3;
	[tilespmem:s2+$0xFFFFFF90] =	vst v2;
	s2 =	sadd.s32 $0x100, s2  }
0x17e: {  	[tilespmem:s2+$0xFFFFFF80] =	vst v2;
	p0 =	slt.u32 s3, $0x3E  }
0x17f: {  	[tilespmem:s2+$0x70] =	vst v2  }
0x180: {  	[tilespmem:s2+$0x60] =	vst v2  }
0x181: {  	[tilespmem:s2+$0x50] =	vst v2  }
0x182: {  	[tilespmem:s2+$0x40] =	vst v2  }
0x183: {  	[tilespmem:s2+$0x30] =	vst v2  }
0x184: {  	[tilespmem:s2+$0x20] =	vst v2  }
0x185: {  	[tilespmem:s2+$0x10] =	vst v2  }
0x186: {  	[tilespmem:s2+$0x0] =	vst v2  }
0x187: {  	[tilespmem:s2+$0xFFFFFFF0] =	vst v2  }
.Ltmp13:
0x188: {  	[tilespmem:s2+$0xFFFFFFE0] =	vst v2;
	(pc) =	sbr.rel @p0 .LBB2_18-.Ltmp13, $4  }
0x189: {  	[tilespmem:s2+$0xFFFFFFD0] =	vst v2  }
0x18a: {  	[tilespmem:s2+$0xFFFFFFC0] =	vst v2  }
0x18b: {  	[tilespmem:s2+$0xFFFFFFB0] =	vst v2  }
0x18c: {  	[tilespmem:s2+$0xFFFFFFA0] =	vst v2  }
0x18d: {  	[tilespmem:s2+$0xFFFFFF90] =	vst v2;
	s29 =	simm.s32 $0x5  }
0x18e: {  	_ =	swait.ge [sflag:s29], $0x2008  }
0x18f: {  	[sflag:s29] =	ssyncset.done $0x0  }
0x190: {  	[sflag:s29] =	ssyncadd.s32 $0xFFFFDFF8  }
0x191: {  	_ =	swait.ge [sflag:s29], $0x2008  }
0x192: {  	[sflag:s29] =	ssyncset.done $0x0  }
0x193: {  	s3 =	sand.u32 $0xFFFFFFF0, s6;
	[sflag:s29] =	ssyncadd.s32 $0xFFFFDFF8  }
0x194: {  	v4 =	vld [tilespmem:s3+$0x6180]  }
0x195: {  	v5 =	vld [tilespmem:s3+$0x8200]  }
0x196: {  	s2 =	sadd.s32 $0xF, s6;
	s4 =	sshll.u32 s14, $0xC  }
0x197: {  	s7 =	sand.u32 $0xFFFFFFF0, s2;
	s8 =	ssub.s32 $0x0, s4;
	s4 =	sand.u32 $0xFFFFFFF0, s0  }
0x198: {  	s9 =	smov.u32 s0;
	p0 =	slt.s32 s7, s0;
	s12 =	ssub.s32 s4, s7  }
0x199: {  	s9 =	smov.u32 @p0 s7;
	p0 =	sgt.s32 s12, $0x0  }
0x19a: {  	v6 =	vor.u32 s3, v1;
	s12 =	simm.s32 @!p0 $0x0;
	v4 =	vshll.u32 v4, $0xC;
	v7 =	vadd.s32 s8, v5  }
0x19b: {  	vm1 =	vge.s32 v6, s6;
	vm2 =	vlt.s32 v6, s9;
	s7 =	sshrl.u32 s12, $0x4;
	v4 =	vadd.s32 v4, v7  }
0x19c: {  	vm1 =	vmand vm1, vm2;
	s11 =	sand.u32 $0x7FFFFF8, s7;
	v5 =	vand.u32 $0x7F, v5;
	v4 =	vand.u32 $0xFFFFFF80, v4  }
0x19d: {  	v6 =	vld [tilespmem:s3+$0xA280];
	p0 =	seq.s32 s11, $0x0;
	v5 =	vor.u32 v5, v4  }
.Ltmp14:
0x19e: {  	_ = 	snop;
	(pc) =	sbr.rel @p0 .LBB2_23-.Ltmp14, $2  }
0x19f: {  	_ =	sdelay $0x2  }
0x1a0: {  	v4 =	vmov s8;
	[tilespmem:v5+s31+$0x0] =	vst.idx.msk vm1, v6  }
0x1a1: {  	s3 =	sadd.s32 s16, s15  }
0x1a2: {  	s3 =	ssub.s32 s3, s10  }
0x1a3: {  	s3 =	sadd.s32 $0x7F, s3  }
0x1a4: {  	s8 =	sadd.s32 $0xFFFFFFA0, s3  }
0x1a5: {  	s8 =	sand.u32 $0xFFFFFFF0, s8  }
0x1a6: {  	s22 =	sadd.s32 $0xFFFFFF90, s3;
	s9 =	sadd.s32 $0xFFFFFFB0, s3;
	v7 =	vld [tilespmem:s8+$0x6180]  }
0x1a7: {  	s24 =	sand.u32 $0x70, s2;
	s2 =	sand.u32 $0xFFFFFF80, s22;
	s9 =	sand.u32 $0xFFFFFFF0, s9;
	v8 =	vld [tilespmem:s8+$0x8200]  }
0x1a8: {  	s2 =	sor.u32 s24, s2;
	v9 =	vld [tilespmem:s9+$0x6180]  }
0x1a9: {  	v5 =	vld [tilespmem:s2+$0x6180]  }
0x1aa: {  	s25 =	sadd.s32 $0xFFFFFFC0, s3;
	v6 =	vld [tilespmem:s2+$0x8200]  }
0x1ab: {  	s30 =	smov.u32 s17;
	s29 =	sadd.s32 $0xFFFFFFF0, s3;
	s17 =	sand.u32 $0xFFFFFFF0, s25;
	v10 =	vld [tilespmem:s9+$0x8200]  }
0x1ac: {  	s21 =	sand.u32 $0xFFFFFFF0, s29;
	v12 =	vld [tilespmem:s17+$0x6180]  }
0x1ad: {  	s26 =	sadd.s32 $0xFFFFFFE0, s3;
	v18 =	vld [tilespmem:s21+$0x6180]  }
0x1ae: {  	v16 =	vld [tilespmem:s2+$0xA280];
	s2 =	sand.u32 $0xFFFFFFF0, s26  }
0x1af: {  	v15 =	vld [tilespmem:s2+$0x8200];
	v5 =	vshll.u32 v5, $0xC;
	v11 =	vadd.s32 v4, v6  }
0x1b0: {  	s20 =	sadd.s32 $0xFFFFFFD0, s3;
	v5 =	vadd.s32 v5, v11;
	v11 =	vld [tilespmem:s17+$0x8200]  }
0x1b1: {  	s22 =	sand.u32 $0xFFFFFFF0, s20;
	v7 =	vshll.u32 v7, $0xC;
	v14 =	vadd.s32 v4, v8  }
0x1b2: {  	v13 =	vld [tilespmem:s22+$0x6180];
	v8 =	vand.u32 $0x7F, v8;
	v6 =	vand.u32 $0x7F, v6;
	v5 =	vand.u32 $0xFFFFFF80, v5  }
0x1b3: {  	v18 =	vshll.u32 v18, $0xC;
	v17 =	vor.u32 v6, v5;
	v6 =	vshll.u32 v9, $0xC;
	v9 =	vld [tilespmem:s22+$0x8200]  }
0x1b4: {  	v20 =	vadd.s32 v4, v15;
	v5 =	vadd.s32 v7, v14;
	v7 =	vadd.s32 v4, v10;
	v14 =	vld [tilespmem:s2+$0x6180]  }
0x1b5: {  	s20 =	sand.u32 $0xFFFFFFF0, s3;
	v6 =	vadd.s32 v6, v7;
	v7 =	vshll.u32 v12, $0xC;
	v12 =	vadd.s32 v4, v11  }
0x1b6: {  	v19 =	vld [tilespmem:s20+$0x6180];
	v10 =	vand.u32 $0x7F, v10;
	v5 =	vand.u32 $0xFFFFFF80, v5;
	v12 =	vadd.s32 v7, v12  }
0x1b7: {  	v6 =	vand.u32 $0xFFFFFF80, v6;
	v7 =	vor.u32 v8, v5;
	v5 =	vand.u32 $0xFFFFFF80, v12;
	v12 =	vld [tilespmem:s21+$0x8200]  }
0x1b8: {  	p0 =	sgt.u32 s11, $0x8;
	v6 =	vor.u32 v10, v6;
	v8 =	vshll.u32 v13, $0xC;
	v10 =	vadd.s32 v4, v9  }
.Ltmp15:
0x1b9: {  	v21 =	vand.u32 $0x7F, v15;
	v8 =	vadd.s32 v8, v10;
	v10 =	vshll.u32 v14, $0xC;
	v14 =	vld [tilespmem:s20+$0x8200];
	(pc) =	sbr.rel @!p0 .LBB2_22-.Ltmp15, $4  }
0x1ba: {  	v11 =	vand.u32 $0x7F, v11;
	v13 =	vld [tilespmem:s8+$0xA280];
	v9 =	vand.u32 $0x7F, v9;
	v8 =	vand.u32 $0xFFFFFF80, v8  }
0x1bb: {  	v5 =	vor.u32 v11, v5;
	v11 =	vld [tilespmem:s9+$0xA280];
	v8 =	vor.u32 v9, v8;
	v9 =	vadd.s32 v10, v20  }
0x1bc: {  	[tilespmem:v17+s31+$0x0] =	vst.idx.msk $0xffff, v16;
	v16 =	vshll.u32 v19, $0xC;
	v10 =	vld [tilespmem:s17+$0xA280];
	v9 =	vand.u32 $0xFFFFFF80, v9;
	v63 =	vadd.s32 v4, v12  }
0x1bd: {  	s3 =	sadd.s32 $0x80, s3;
	s9 =	simm.s32 $0x8;
	v15 =	vand.u32 $0x7F, v12;
	v12 =	vld [tilespmem:s22+$0xA280];
	v9 =	vor.u32 v21, v9;
	v17 =	vadd.s32 v18, v63  }
.LBB2_21:
0x1be: {  	s8 =	sadd.s32 $0xFFFFFF90, s3;
	s17 =	sadd.s32 $0xFFFFFFA0, s3;
	s22 =	sadd.s32 $0xFFFFFFB0, s3;
	v18 =	vld [tilespmem:s2+$0xA280];
	v17 =	vand.u32 $0xFFFFFF80, v17;
	v19 =	vadd.s32 v4, v14;
	v14 =	vand.u32 $0x7F, v14  }
0x1bf: {  	s25 =	sadd.s32 $0xFFFFFFC0, s3;
	s9 =	sadd.s32 $0x8, s9;
	s2 =	sand.u32 $0xFFFFFF80, s8;
	[tilespmem:v7+s31+$0x0] =	vst.idx.msk $0xffff, v13;
	v7 =	vld [tilespmem:s21+$0xA280];
	v13 =	vor.u32 v15, v17;
	v15 =	vadd.s32 v16, v19  }
0x1c0: {  	p0 =	slt.u32 s9, s11;
	s26 =	sor.u32 s24, s2;
	s2 =	sadd.s32 $0xFFFFFFD0, s3;
	[tilespmem:v6+s31+$0x0] =	vst.idx.msk $0xffff, v11;
	v6 =	vld [tilespmem:s20+$0xA280];
	v11 =	vand.u32 $0xFFFFFF80, v15  }
0x1c1: {  	s8 =	sand.u32 $0xFFFFFFF0, s17;
	s17 =	sadd.s32 $0xFFFFFFE0, s3;
	s20 =	sadd.s32 $0xFFFFFFF0, s3;
	v15 =	vld [tilespmem:s26+$0x6180];
	[tilespmem:v5+s31+$0x0] =	vst.idx.msk $0xffff, v10;
	v5 =	vor.u32 v14, v11  }
0x1c2: {  	s29 =	sand.u32 $0xFFFFFFF0, s22;
	s22 =	sand.u32 $0xFFFFFFF0, s25;
	s25 =	sand.u32 $0xFFFFFFF0, s2;
	v10 =	vld [tilespmem:s26+$0x8200];
	[tilespmem:v8+s31+$0x0] =	vst.idx.msk $0xffff, v12  }
0x1c3: {  	s2 =	sand.u32 $0xFFFFFFF0, s17;
	s21 =	sand.u32 $0xFFFFFFF0, s20;
	s20 =	sand.u32 $0xFFFFFFF0, s3;
	v8 =	vld [tilespmem:s8+$0x6180];
	[tilespmem:v9+s31+$0x0] =	vst.idx.msk $0xffff, v18  }
0x1c4: {  	v9 =	vld [tilespmem:s8+$0x8200];
	[tilespmem:v13+s31+$0x0] =	vst.idx.msk $0xffff, v7  }
0x1c5: {  	v7 =	vld [tilespmem:s29+$0x6180]  }
0x1c6: {  	v11 =	vld [tilespmem:s29+$0x8200];
	[tilespmem:v5+s31+$0x0] =	vst.idx.msk $0xffff, v6  }
0x1c7: {  	v5 =	vshll.u32 v15, $0xC;
	v6 =	vadd.s32 v4, v10;
	v12 =	vld [tilespmem:s22+$0x6180]  }
0x1c8: {  	v5 =	vadd.s32 v5, v6;
	v6 =	vshll.u32 v8, $0xC;
	v8 =	vld [tilespmem:s22+$0x8200]  }
0x1c9: {  	v10 =	vand.u32 $0x7F, v10;
	v5 =	vand.u32 $0xFFFFFF80, v5;
	v13 =	vadd.s32 v4, v9;
	v14 =	vld [tilespmem:s25+$0x6180]  }
0x1ca: {  	v15 =	vld [tilespmem:s26+$0xA280];
	v5 =	vor.u32 v10, v5;
	v6 =	vadd.s32 v6, v13;
	v7 =	vshll.u32 v7, $0xC  }
0x1cb: {  	v9 =	vand.u32 $0x7F, v9;
	v6 =	vand.u32 $0xFFFFFF80, v6;
	v10 =	vadd.s32 v4, v11;
	v13 =	vld [tilespmem:s25+$0x8200]  }
0x1cc: {  	v7 =	vadd.s32 v7, v10;
	v10 =	vand.u32 $0x7F, v11;
	v11 =	vshll.u32 v12, $0xC;
	v12 =	vld [tilespmem:s2+$0x6180]  }
0x1cd: {  	v16 =	vand.u32 $0xFFFFFF80, v7;
	v17 =	vadd.s32 v4, v8;
	v8 =	vand.u32 $0x7F, v8;
	v18 =	vld [tilespmem:s2+$0x8200]  }
0x1ce: {  	v7 =	vor.u32 v9, v6;
	v9 =	vadd.s32 v11, v17;
	v11 =	vshll.u32 v14, $0xC;
	v17 =	vld [tilespmem:s21+$0x6180]  }
0x1cf: {  	v6 =	vor.u32 v10, v16;
	[tilespmem:v5+s31+$0x0] =	vst.idx.msk $0xffff, v15;
	v5 =	vand.u32 $0xFFFFFF80, v9;
	v9 =	vld [tilespmem:s21+$0x8200]  }
0x1d0: {  	v5 =	vor.u32 v8, v5;
	v8 =	vadd.s32 v4, v13;
	v10 =	vand.u32 $0x7F, v13;
	v16 =	vld [tilespmem:s20+$0x6180]  }
.Ltmp16:
0x1d1: {  	v8 =	vadd.s32 v11, v8;
	v12 =	vshll.u32 v12, $0xC;
	v14 =	vld [tilespmem:s20+$0x8200];
	(pc) =	sbr.rel @p0 .LBB2_21-.Ltmp16, $4  }
0x1d2: {  	v13 =	vld [tilespmem:s8+$0xA280];
	v8 =	vand.u32 $0xFFFFFF80, v8;
	v15 =	vadd.s32 v4, v18;
	v18 =	vand.u32 $0x7F, v18  }
0x1d3: {  	v11 =	vld [tilespmem:s29+$0xA280];
	v8 =	vor.u32 v10, v8;
	v12 =	vadd.s32 v12, v15;
	v17 =	vshll.u32 v17, $0xC  }
0x1d4: {  	v10 =	vld [tilespmem:s22+$0xA280];
	v19 =	vand.u32 $0xFFFFFF80, v12;
	v20 =	vadd.s32 v4, v9;
	v15 =	vand.u32 $0x7F, v9  }
0x1d5: {  	s3 =	sadd.s32 $0x80, s3;
	v12 =	vld [tilespmem:s25+$0xA280];
	v9 =	vor.u32 v18, v19;
	v17 =	vadd.s32 v17, v20;
	v16 =	vshll.u32 v16, $0xC  }
.LBB2_22:
0x1d6: {  	_ =	sdelay $0x1  }
0x1d7: {  	v18 =	vadd.s32 v4, v14  }
0x1d8: {  	v19 =	vld [tilespmem:s2+$0xA280];
	v17 =	vand.u32 $0xFFFFFF80, v17;
	v16 =	vadd.s32 v16, v18  }
0x1d9: {  	v60 =	vand.u32 $0x7F, v14;
	[tilespmem:v7+s31+$0x0] =	vst.idx.msk $0xffff, v13;
	v7 =	vld [tilespmem:s21+$0xA280];
	v61 =	vor.u32 v15, v17;
	v62 =	vand.u32 $0xFFFFFF80, v16  }
0x1da: {  	[tilespmem:v6+s31+$0x0] =	vst.idx.msk $0xffff, v11;
	v6 =	vld [tilespmem:s20+$0xA280];
	v63 =	vor.u32 v60, v62  }
0x1db: {  	[tilespmem:v5+s31+$0x0] =	vst.idx.msk $0xffff, v10  }
0x1dc: {  	[tilespmem:v8+s31+$0x0] =	vst.idx.msk $0xffff, v12  }
0x1dd: {  	[tilespmem:v9+s31+$0x0] =	vst.idx.msk $0xffff, v19  }
0x1de: {  	[tilespmem:v61+s31+$0x0] =	vst.idx.msk $0xffff, v7  }
0x1df: {  	s17 =	smov.u32 s30;
	s30 =	rddreg [dreg:$0x1];
	[tilespmem:v63+s31+$0x0] =	vst.idx.msk $0xffff, v6  }
.LBB2_23:
0x1e0: {  	p0 =	seq.s32 s11, s7  }
.Ltmp17:
0x1e1: {  	_ = 	snop;
	(pc) =	sbr.rel @p0 .LBB2_26-.Ltmp17, $1  }
0x1e2: {  	_ =	sdelay $0x3  }
0x1e3: {  	s2 =	sadd.s32 s16, s15  }
0x1e4: {  	s3 =	sand.u32 $0x7FFFFF80, s12;
	s2 =	ssub.s32 s2, s10  }
0x1e5: {  	s2 =	sadd.s32 s3, s2  }
0x1e6: {  	s2 =	sadd.s32 $0xF, s2  }
.LBB2_25:
0x1e7: {  	s3 =	sand.u32 $0xFFFFFFF0, s2  }
0x1e8: {  	v5 =	vld [tilespmem:s3+$0x6180]  }
0x1e9: {  	v6 =	vld [tilespmem:s3+$0x8200];
	_ =	sdelay $0x4  }
0x1ea: {  	v5 =	vshll.u32 v5, $0xC;
	v7 =	vadd.s32 v4, v6  }
0x1eb: {  	v5 =	vadd.s32 v5, v7  }
0x1ec: {  	s11 =	sadd.s32 $0x1, s11;
	v6 =	vand.u32 $0x7F, v6;
	v5 =	vand.u32 $0xFFFFFF80, v5  }
0x1ed: {  	p0 =	slt.u32 s11, s7;
	v7 =	vld [tilespmem:s3+$0xA280];
	v5 =	vor.u32 v6, v5  }
.Ltmp18:
0x1ee: {  	_ = 	snop;
	(pc) =	sbr.rel @p0 .LBB2_25-.Ltmp18, $2  }
0x1ef: {  	_ =	sdelay $0x2  }
0x1f0: {  	s2 =	sadd.s32 $0x10, s2;
	[tilespmem:v5+s31+$0x0] =	vst.idx.msk $0xffff, v7  }
.Ltmp19:
0x1f1: {  	_ = 	snop;
	(pc) =	sbr.rel .LBB2_26-.Ltmp19, $1  }
0x1f2: {  	_ =	sdelay $0x3  }
.LBB2_28:
0x1f3: {  	_ =	sfence.sel $0x180000  }
0x1f4: {  	[bflag:$0x0] =	sbarrier.arrive $0xFFFF  }
0x1f5: {  	_ =	strace $0x90000047  }
0x1f6: {  	s0 =	stileid.u32;
	[bflag:$0x2] =	sbarrier.arrive $0xFFFF  }
0x1f7: {  	p0 =	sne.s32 s0, $0x0;
	s0 =	rddreg [dreg:$0x5]  }
0x1f8: {  	s0 =	sadd.s32 @!p0 $0x100000, s0  }
0x1f9: {  	[sflag:s0] =	ssyncadd.tile.s32 @!p0 $0x1;
	_ =	shalt  }
.Lfunc_end2:
_tile_overlayer_lowered:
.L_overlay_start_2:
0x1fa: {  	(tag) =	ssettag $0x2  }
0x1fb: {  	s0 =	rddreg [dreg:$0x0];
	s2 =	stileid.u32  }
0x1fc: {  	s1 =	rddreg [dreg:$0x1];
	p0 =	sne.s32 s2, $0x0  }
0x1fd: {  	s3 =	rddreg [dreg:$0x2];
	[bflag:$0x3] =	sbarrier.arrive $0xFFFF;
	s2 =	simm.s32 @!p0 $0x1C08  }
0x1fe: {  	[timem:s3], [sflag:s2] =	dma.local @!p0 [hbm:s0], s1  }
0x1ff: {  	s0 =	simm.s32 @!p0 $0x8  }
0x200: {  	_ =	swait.ge @!p0 [sflag:s0], s1  }
0x201: {  	s1 =	ssub.s32 @!p0 $0x0, s1;
	[sflag:s0] =	ssyncset.done @!p0 $0x0  }
0x202: {  	[sflag:s0] =	ssyncadd.s32 @!p0 s1  }
0x203: {  	[bflag:$0x3] =	sbarrier.arrive $0xFFFF  }
0x204: {  	_ =	shalt  }

</sc_bundles>
